<compile_context>
chip_gen: v7x
topology: tpu7x:2x2x1
jax: 0.10.2.dev20260603
libtpu: 0.0.44.dev20260713+nightly
codegen_flags: <defaults>
</compile_context>

<pallas_src>
import jax
import jax.numpy as jnp
from jax import lax
from jax.experimental import pallas as pl
from jax.experimental.pallas import tpu as pltpu
from jax.experimental.pallas import tpu_sc as plsc

NC = 2
NS = 16
L = 16
NW = NC * NS
B = 16384
K = 32
BPW = B // NW
WAVE = 4
NWAVES = BPW // WAVE
NPAIR = NWAVES // 2


def _body(u_hbm, i_hbm, ut_hbm, it_hbm, out_hbm,
          u_vm, i_vm, u_tiles, i_tiles, out_v, sem0, sem1):
    wid = lax.axis_index("s") * NC + lax.axis_index("c")
    base = wid * BPW

    pltpu.sync_copy(u_hbm.at[pl.ds(base, BPW)], u_vm.at[pl.ds(0, BPW)])
    pltpu.sync_copy(i_hbm.at[pl.ds(base, BPW)], i_vm.at[pl.ds(0, BPW)])

    sems = (sem0, sem1)

    def fire(g, slot):
        uvec = u_vm[pl.ds(g * WAVE, L)]
        ivec = i_vm[pl.ds(g * WAVE, L)]
        for j in range(WAVE):
            cu = uvec[j]
            ci = ivec[j]
            cu0 = pl.multiple_of((cu >> 7) << 7, 128)
            ci0 = pl.multiple_of((ci >> 7) << 7, 128)
            pltpu.make_async_copy(
                ut_hbm.at[:, pl.ds(cu0, 128)],
                u_tiles.at[slot, j], sems[slot]).start()
            pltpu.make_async_copy(
                it_hbm.at[:, pl.ds(ci0, 128)],
                i_tiles.at[slot, j], sems[slot]).start()

    def drain(slot):
        for j in range(WAVE):
            pltpu.make_async_copy(
                ut_hbm.at[:, pl.ds(0, 128)],
                u_tiles.at[slot, j], sems[slot]).wait()
            pltpu.make_async_copy(
                it_hbm.at[:, pl.ds(0, 128)],
                i_tiles.at[slot, j], sems[slot]).wait()

    iota = lax.iota(jnp.int32, L)
    lane = iota

    def compute(g, slot, dots):
        sv = jnp.full((L,), slot, jnp.int32)
        uvec = u_vm[pl.ds(g * WAVE, L)] & 127
        ivec = i_vm[pl.ds(g * WAVE, L)] & 127
        for j in range(WAVE):
            r = g * WAVE + j
            rr_u = jnp.full((L,), uvec[j], jnp.int32)
            rr_i = jnp.full((L,), ivec[j], jnp.int32)
            jv = jnp.full((L,), j, jnp.int32)
            uv0 = plsc.load_gather(u_tiles, [sv, jv, iota, rr_u])
            uv1 = plsc.load_gather(u_tiles, [sv, jv, iota + L, rr_u])
            iv0 = plsc.load_gather(i_tiles, [sv, jv, iota, rr_i])
            iv1 = plsc.load_gather(i_tiles, [sv, jv, iota + L, rr_i])
            s = uv0 * iv0 + uv1 * iv1
            dot = jnp.sum(s)
            dots = jnp.where(lane == lax.rem(r, L), dot, dots)
        return dots

    fire(0, 0)

    def step(p, dots):
        g0 = p * 2
        fire(g0 + 1, 1)
        drain(0)
        dots = compute(g0, 0, dots)

        @pl.when(p < NPAIR - 1)
        def _():
            fire(g0 + 2, 0)

        drain(1)
        dots = compute(g0 + 1, 1, dots)

        @pl.when(lax.rem(p, 2) == 1)
        def _():
            out_v[pl.ds((p - 1) * 2 * WAVE, L)] = dots

        return jnp.where(lax.rem(p, 2) == 1, jnp.zeros((L,), jnp.float32),
                         dots)

    lax.fori_loop(0, NPAIR, step, jnp.zeros((L,), jnp.float32))

    pltpu.sync_copy(out_v, out_hbm.at[pl.ds(base, BPW)])


_sc_call = pl.kernel(
    _body,
    out_type=jax.ShapeDtypeStruct((B,), jnp.float32),
    mesh=plsc.VectorSubcoreMesh(
        core_axis_name="c", subcore_axis_name="s",
        num_cores=NC, num_subcores=NS),
    scratch_types=[
        pltpu.VMEM((BPW + L,), jnp.int32),
        pltpu.VMEM((BPW + L,), jnp.int32),
        pltpu.VMEM((2, WAVE, K, 128), jnp.float32),
        pltpu.VMEM((2, WAVE, K, 128), jnp.float32),
        pltpu.VMEM((BPW,), jnp.float32),
        pltpu.SemaphoreType.DMA,
        pltpu.SemaphoreType.DMA,
    ],
    compiler_params=pltpu.CompilerParams(needs_layout_passes=False),
)


def kernel(u, i, user_table, item_table):
    return _sc_call(u, i, user_table.T, item_table.T)

# --- scband reference (transcript-rebuilt; emitter-appended) ---
"""Pipeline reference for scband-cfmodel-55533927137525 (READ-ONLY COPY).

The authoritative reference and input builder live on the scoring server;
editing this copy changes nothing except your own understanding.
"""

import jax, jax.numpy as jnp
import numpy as np

NUM_USERS = 1000000
NUM_ITEMS = 1000000
K = 32
BATCH = 16384

def setup_inputs(seed: int = 0) -> dict:
    key = jax.random.key(seed)
    k1, k2, k3, k4 = jax.random.split(key, 4)
    u = jax.random.randint(k1, (BATCH,), 0, NUM_USERS, dtype=jnp.int64 if jax.config.jax_enable_x64 else jnp.int32).astype(jnp.int32)
    i = jax.random.randint(k2, (BATCH,), 0, NUM_ITEMS, dtype=jnp.int64 if jax.config.jax_enable_x64 else jnp.int32).astype(jnp.int32)
    user_table = jax.random.normal(k3, (NUM_USERS, K), dtype=jnp.float32) * 0.05
    item_table = jax.random.normal(k4, (NUM_ITEMS, K), dtype=jnp.float32) * 0.05
    return {"u": u, "i": i, "user_table": user_table, "item_table": item_table}

def reference(u, i, user_table, item_table):
    u_emb = jnp.take(user_table, u, axis=0)  # [B, K]
    i_emb = jnp.take(item_table, i, axis=0)  # [B, K]
    return jnp.sum(u_emb * i_emb, axis=1)    # [B]

if __name__ == "__main__":
    import jax
    _d = setup_inputs()
    print(jax.jit(kernel)(*tuple(_d.values())))

</pallas_src>

<mosaic_0001>
#map = affine_map<(d0, d1) -> (0)>
#map1 = affine_map<(d0, d1) -> (0, 0)>
module attributes {stable_mosaic.version = 14 : i64} {
  func.func @_body(%arg0: i32, %arg1: i32, %arg2: memref<16384xi32, #tpu.memory_space<hbm>>, %arg3: memref<16384xi32, #tpu.memory_space<hbm>>, %arg4: memref<32x1000000xf32, #tpu.memory_space<hbm>>, %arg5: memref<32x1000000xf32, #tpu.memory_space<hbm>>, %arg6: memref<16384xf32, #tpu.memory_space<hbm>>, %arg7: memref<528xi32, #tpu.memory_space<vmem>>, %arg8: memref<528xi32, #tpu.memory_space<vmem>>, %arg9: memref<2x4x32x128xf32, #tpu.memory_space<vmem>>, %arg10: memref<2x4x32x128xf32, #tpu.memory_space<vmem>>, %arg11: memref<512xf32, #tpu.memory_space<vmem>>, %arg12: memref<!tpu.dma_semaphore, #tpu.memory_space<semaphore_mem>>, %arg13: memref<!tpu.dma_semaphore, #tpu.memory_space<semaphore_mem>>) attributes {dimension_semantics = [#tpu.dimension_semantics<core_parallel>, #tpu.dimension_semantics<subcore_parallel>], iteration_bounds = array<i64: 2, 16>, scalar_prefetch = 0 : i64, scratch_operands = 7 : i64, tpu.core_type = #tpu.core_type<sc_vector_subcore>, window_params = [{transform_indices = #map}, {transform_indices = #map}, {transform_indices = #map1}, {transform_indices = #map1}, {transform_indices = #map}]} {
    %mul3A = arith.constant 2 : i32
    %mul3A_0 = arith.muli %arg1, %mul3A : i32
    %add3A = arith.addi %mul3A_0, %arg0 : i32
    %mul3A_1 = arith.constant 512 : i32
    %mul3A_2 = arith.muli %add3A, %mul3A_1 : i32
    "tpu.region"() ({
      %run_scoped3A = tpu.sem_alloc : memref<!tpu.dma_semaphore, #tpu.memory_space<semaphore_mem>>
      %dma_start3A_174 = arith.constant 0 : i32
      %dma_start3A_175 = tpu.memref_slice %arg7[%dma_start3A_174] : memref<528xi32, #tpu.memory_space<vmem>> -> memref<512xi32, #tpu.memory_space<vmem>>
      %dma_start3A_176 = tpu.memref_slice %arg2[%mul3A_2] : memref<16384xi32, #tpu.memory_space<hbm>> -> memref<512xi32, #tpu.memory_space<hbm>>
      %dma_start3A_177 = arith.constant 0 : i32
      %dma_start3A_178 = tpu.memref_slice %arg7[%dma_start3A_177] : memref<528xi32, #tpu.memory_space<vmem>> -> memref<512xi32, #tpu.memory_space<vmem>>
      %dma_start3A_179 = tpu.memref_slice %arg2[%mul3A_2] : memref<16384xi32, #tpu.memory_space<hbm>> -> memref<512xi32, #tpu.memory_space<hbm>>
      tpu.enqueue_dma source(%dma_start3A_179 : memref<512xi32, #tpu.memory_space<hbm>>) target(%dma_start3A_178 : memref<512xi32, #tpu.memory_space<vmem>>) target_semaphore(%run_scoped3A : memref<!tpu.dma_semaphore, #tpu.memory_space<semaphore_mem>>)
      %dma_wait3A = arith.constant 0 : i32
      %dma_wait3A_180 = tpu.memref_slice %arg7[%dma_wait3A] : memref<528xi32, #tpu.memory_space<vmem>> -> memref<512xi32, #tpu.memory_space<vmem>>
      %dma_wait3A_181 = tpu.memref_slice %arg2[%mul3A_2] : memref<16384xi32, #tpu.memory_space<hbm>> -> memref<512xi32, #tpu.memory_space<hbm>>
      %dma_wait3A_182 = arith.constant 0 : i32
      %dma_wait3A_183 = tpu.memref_slice %arg7[%dma_wait3A_182] : memref<528xi32, #tpu.memory_space<vmem>> -> memref<512xi32, #tpu.memory_space<vmem>>
      %dma_wait3A_184 = tpu.memref_slice %arg2[%mul3A_2] : memref<16384xi32, #tpu.memory_space<hbm>> -> memref<512xi32, #tpu.memory_space<hbm>>
      tpu.wait_dma2 semaphore(%run_scoped3A : memref<!tpu.dma_semaphore, #tpu.memory_space<semaphore_mem>>) src(%dma_wait3A_184 : memref<512xi32, #tpu.memory_space<hbm>>) dst(%dma_wait3A_183 : memref<512xi32, #tpu.memory_space<vmem>>)
      tpu.yield
    }) : () -> ()
    "tpu.region"() ({
      %run_scoped3A = tpu.sem_alloc : memref<!tpu.dma_semaphore, #tpu.memory_space<semaphore_mem>>
      %dma_start3A_174 = arith.constant 0 : i32
      %dma_start3A_175 = tpu.memref_slice %arg8[%dma_start3A_174] : memref<528xi32, #tpu.memory_space<vmem>> -> memref<512xi32, #tpu.memory_space<vmem>>
      %dma_start3A_176 = tpu.memref_slice %arg3[%mul3A_2] : memref<16384xi32, #tpu.memory_space<hbm>> -> memref<512xi32, #tpu.memory_space<hbm>>
      %dma_start3A_177 = arith.constant 0 : i32
      %dma_start3A_178 = tpu.memref_slice %arg8[%dma_start3A_177] : memref<528xi32, #tpu.memory_space<vmem>> -> memref<512xi32, #tpu.memory_space<vmem>>
      %dma_start3A_179 = tpu.memref_slice %arg3[%mul3A_2] : memref<16384xi32, #tpu.memory_space<hbm>> -> memref<512xi32, #tpu.memory_space<hbm>>
      tpu.enqueue_dma source(%dma_start3A_179 : memref<512xi32, #tpu.memory_space<hbm>>) target(%dma_start3A_178 : memref<512xi32, #tpu.memory_space<vmem>>) target_semaphore(%run_scoped3A : memref<!tpu.dma_semaphore, #tpu.memory_space<semaphore_mem>>)
      %dma_wait3A = arith.constant 0 : i32
      %dma_wait3A_180 = tpu.memref_slice %arg8[%dma_wait3A] : memref<528xi32, #tpu.memory_space<vmem>> -> memref<512xi32, #tpu.memory_space<vmem>>
      %dma_wait3A_181 = tpu.memref_slice %arg3[%mul3A_2] : memref<16384xi32, #tpu.memory_space<hbm>> -> memref<512xi32, #tpu.memory_space<hbm>>
      %dma_wait3A_182 = arith.constant 0 : i32
      %dma_wait3A_183 = tpu.memref_slice %arg8[%dma_wait3A_182] : memref<528xi32, #tpu.memory_space<vmem>> -> memref<512xi32, #tpu.memory_space<vmem>>
      %dma_wait3A_184 = tpu.memref_slice %arg3[%mul3A_2] : memref<16384xi32, #tpu.memory_space<hbm>> -> memref<512xi32, #tpu.memory_space<hbm>>
      tpu.wait_dma2 semaphore(%run_scoped3A : memref<!tpu.dma_semaphore, #tpu.memory_space<semaphore_mem>>) src(%dma_wait3A_184 : memref<512xi32, #tpu.memory_space<hbm>>) dst(%dma_wait3A_183 : memref<512xi32, #tpu.memory_space<vmem>>)
      tpu.yield
    }) : () -> ()
    %iota3A = tpu.iota {dimensions = array<i32: 0>} : vector<16xi32>
    %get3A = arith.constant 0 : index
    %get3A_3 = tpu.vector_load %arg7[%get3A] {strides = array<i32>} : memref<528xi32, #tpu.memory_space<vmem>>, vector<16xi32>,
    %get3A_4 = arith.constant 0 : index
    %get3A_5 = tpu.vector_load %arg8[%get3A_4] {strides = array<i32>} : memref<528xi32, #tpu.memory_space<vmem>>, vector<16xi32>,
    %slice3A = vector.extract_strided_slice %get3A_3 {offsets = [0], sizes = [1], strides = [1]} : vector<16xi32> to vector<1xi32>
    %squeeze3A = vector.extract %slice3A[0] : i32 from vector<1xi32>
    %slice3A_6 = vector.extract_strided_slice %get3A_5 {offsets = [0], sizes = [1], strides = [1]} : vector<16xi32> to vector<1xi32>
    %squeeze3A_7 = vector.extract %slice3A_6[0] : i32 from vector<1xi32>
    %shift_right_arithmetic3A = arith.constant 7 : i32
    %shift_right_arithmetic3A_8 = arith.shrsi %squeeze3A, %shift_right_arithmetic3A : i32
    %shift_left3A = arith.constant 7 : i32
    %shift_left3A_9 = arith.shli %shift_right_arithmetic3A_8, %shift_left3A : i32
    %multiple_of3A = tpu.assume_multiple %shift_left3A_9, 128 : i32
    %shift_right_arithmetic3A_10 = arith.constant 7 : i32
    %shift_right_arithmetic3A_11 = arith.shrsi %squeeze3A_7, %shift_right_arithmetic3A_10 : i32
    %shift_left3A_12 = arith.constant 7 : i32
    %shift_left3A_13 = arith.shli %shift_right_arithmetic3A_11, %shift_left3A_12 : i32
    %multiple_of3A_14 = tpu.assume_multiple %shift_left3A_13, 128 : i32
    %dma_start3A = arith.constant 0 : i32
    %dma_start3A_15 = arith.constant 0 : i32
    %dma_start3A_16 = arith.constant 0 : i32
    %dma_start3A_17 = arith.constant 0 : i32
    %dma_start3A_18 = tpu.memref_slice %arg9[%dma_start3A, %dma_start3A_15, %dma_start3A_16, %dma_start3A_17] : memref<2x4x32x128xf32, #tpu.memory_space<vmem>> -> memref<1x1x32x128xf32, #tpu.memory_space<vmem>>
    %dma_start3A_19 = tpu.memref_squeeze %dma_start3A_18 : memref<1x1x32x128xf32, #tpu.memory_space<vmem>> -> memref<32x128xf32, #tpu.memory_space<vmem>>
    %dma_start3A_20 = arith.constant 0 : i32
    %dma_start3A_21 = tpu.memref_slice %arg4[%dma_start3A_20, %multiple_of3A] : memref<32x1000000xf32, #tpu.memory_space<hbm>> -> memref<32x128xf32, #tpu.memory_space<hbm>>
    %dma_start3A_22 = arith.constant 0 : i32
    %dma_start3A_23 = arith.constant 0 : i32
    %dma_start3A_24 = tpu.memref_slice %arg9[%dma_start3A, %dma_start3A_15, %dma_start3A_22, %dma_start3A_23] : memref<2x4x32x128xf32, #tpu.memory_space<vmem>> -> memref<1x1x32x128xf32, #tpu.memory_space<vmem>>
    %dma_start3A_25 = tpu.memref_squeeze %dma_start3A_24 : memref<1x1x32x128xf32, #tpu.memory_space<vmem>> -> memref<32x128xf32, #tpu.memory_space<vmem>>
    %dma_start3A_26 = arith.constant 0 : i32
    %dma_start3A_27 = tpu.memref_slice %arg4[%dma_start3A_26, %multiple_of3A] : memref<32x1000000xf32, #tpu.memory_space<hbm>> -> memref<32x128xf32, #tpu.memory_space<hbm>>
    tpu.enqueue_dma source(%dma_start3A_27 : memref<32x128xf32, #tpu.memory_space<hbm>>) target(%dma_start3A_25 : memref<32x128xf32, #tpu.memory_space<vmem>>) target_semaphore(%arg12 : memref<!tpu.dma_semaphore, #tpu.memory_space<semaphore_mem>>)
    %dma_start3A_28 = arith.constant 0 : i32
    %dma_start3A_29 = arith.constant 0 : i32
    %dma_start3A_30 = arith.constant 0 : i32
    %dma_start3A_31 = arith.constant 0 : i32
    %dma_start3A_32 = tpu.memref_slice %arg10[%dma_start3A_28, %dma_start3A_29, %dma_start3A_30, %dma_start3A_31] : memref<2x4x32x128xf32, #tpu.memory_space<vmem>> -> memref<1x1x32x128xf32, #tpu.memory_space<vmem>>
    %dma_start3A_33 = tpu.memref_squeeze %dma_start3A_32 : memref<1x1x32x128xf32, #tpu.memory_space<vmem>> -> memref<32x128xf32, #tpu.memory_space<vmem>>
    %dma_start3A_34 = arith.constant 0 : i32
    %dma_start3A_35 = tpu.memref_slice %arg5[%dma_start3A_34, %multiple_of3A_14] : memref<32x1000000xf32, #tpu.memory_space<hbm>> -> memref<32x128xf32, #tpu.memory_space<hbm>>
    %dma_start3A_36 = arith.constant 0 : i32
    %dma_start3A_37 = arith.constant 0 : i32
    %dma_start3A_38 = tpu.memref_slice %arg10[%dma_start3A_28, %dma_start3A_29, %dma_start3A_36, %dma_start3A_37] : memref<2x4x32x128xf32, #tpu.memory_space<vmem>> -> memref<1x1x32x128xf32, #tpu.memory_space<vmem>>
    %dma_start3A_39 = tpu.memref_squeeze %dma_start3A_38 : memref<1x1x32x128xf32, #tpu.memory_space<vmem>> -> memref<32x128xf32, #tpu.memory_space<vmem>>
    %dma_start3A_40 = arith.constant 0 : i32
    %dma_start3A_41 = tpu.memref_slice %arg5[%dma_start3A_40, %multiple_of3A_14] : memref<32x1000000xf32, #tpu.memory_space<hbm>> -> memref<32x128xf32, #tpu.memory_space<hbm>>
    tpu.enqueue_dma source(%dma_start3A_41 : memref<32x128xf32, #tpu.memory_space<hbm>>) target(%dma_start3A_39 : memref<32x128xf32, #tpu.memory_space<vmem>>) target_semaphore(%arg12 : memref<!tpu.dma_semaphore, #tpu.memory_space<semaphore_mem>>)
    %slice3A_42 = vector.extract_strided_slice %get3A_3 {offsets = [1], sizes = [1], strides = [1]} : vector<16xi32> to vector<1xi32>
    %squeeze3A_43 = vector.extract %slice3A_42[0] : i32 from vector<1xi32>
    %slice3A_44 = vector.extract_strided_slice %get3A_5 {offsets = [1], sizes = [1], strides = [1]} : vector<16xi32> to vector<1xi32>
    %squeeze3A_45 = vector.extract %slice3A_44[0] : i32 from vector<1xi32>
    %shift_right_arithmetic3A_46 = arith.constant 7 : i32
    %shift_right_arithmetic3A_47 = arith.shrsi %squeeze3A_43, %shift_right_arithmetic3A_46 : i32
    %shift_left3A_48 = arith.constant 7 : i32
    %shift_left3A_49 = arith.shli %shift_right_arithmetic3A_47, %shift_left3A_48 : i32
    %multiple_of3A_50 = tpu.assume_multiple %shift_left3A_49, 128 : i32
    %shift_right_arithmetic3A_51 = arith.constant 7 : i32
    %shift_right_arithmetic3A_52 = arith.shrsi %squeeze3A_45, %shift_right_arithmetic3A_51 : i32
    %shift_left3A_53 = arith.constant 7 : i32
    %shift_left3A_54 = arith.shli %shift_right_arithmetic3A_52, %shift_left3A_53 : i32
    %multiple_of3A_55 = tpu.assume_multiple %shift_left3A_54, 128 : i32
    %dma_start3A_56 = arith.constant 0 : i32
    %dma_start3A_57 = arith.constant 1 : i32
    %dma_start3A_58 = arith.constant 0 : i32
    %dma_start3A_59 = arith.constant 0 : i32
    %dma_start3A_60 = tpu.memref_slice %arg9[%dma_start3A_56, %dma_start3A_57, %dma_start3A_58, %dma_start3A_59] : memref<2x4x32x128xf32, #tpu.memory_space<vmem>> -> memref<1x1x32x128xf32, #tpu.memory_space<vmem>>
    %dma_start3A_61 = tpu.memref_squeeze %dma_start3A_60 : memref<1x1x32x128xf32, #tpu.memory_space<vmem>> -> memref<32x128xf32, #tpu.memory_space<vmem>>
    %dma_start3A_62 = arith.constant 0 : i32
    %dma_start3A_63 = tpu.memref_slice %arg4[%dma_start3A_62, %multiple_of3A_50] : memref<32x1000000xf32, #tpu.memory_space<hbm>> -> memref<32x128xf32, #tpu.memory_space<hbm>>
    %dma_start3A_64 = arith.constant 0 : i32
    %dma_start3A_65 = arith.constant 0 : i32
    %dma_start3A_66 = tpu.memref_slice %arg9[%dma_start3A_56, %dma_start3A_57, %dma_start3A_64, %dma_start3A_65] : memref<2x4x32x128xf32, #tpu.memory_space<vmem>> -> memref<1x1x32x128xf32, #tpu.memory_space<vmem>>
    %dma_start3A_67 = tpu.memref_squeeze %dma_start3A_66 : memref<1x1x32x128xf32, #tpu.memory_space<vmem>> -> memref<32x128xf32, #tpu.memory_space<vmem>>
    %dma_start3A_68 = arith.constant 0 : i32
    %dma_start3A_69 = tpu.memref_slice %arg4[%dma_start3A_68, %multiple_of3A_50] : memref<32x1000000xf32, #tpu.memory_space<hbm>> -> memref<32x128xf32, #tpu.memory_space<hbm>>
    tpu.enqueue_dma source(%dma_start3A_69 : memref<32x128xf32, #tpu.memory_space<hbm>>) target(%dma_start3A_67 : memref<32x128xf32, #tpu.memory_space<vmem>>) target_semaphore(%arg12 : memref<!tpu.dma_semaphore, #tpu.memory_space<semaphore_mem>>)
    %dma_start3A_70 = arith.constant 0 : i32
    %dma_start3A_71 = arith.constant 1 : i32
    %dma_start3A_72 = arith.constant 0 : i32
    %dma_start3A_73 = arith.constant 0 : i32
    %dma_start3A_74 = tpu.memref_slice %arg10[%dma_start3A_70, %dma_start3A_71, %dma_start3A_72, %dma_start3A_73] : memref<2x4x32x128xf32, #tpu.memory_space<vmem>> -> memref<1x1x32x128xf32, #tpu.memory_space<vmem>>
    %dma_start3A_75 = tpu.memref_squeeze %dma_start3A_74 : memref<1x1x32x128xf32, #tpu.memory_space<vmem>> -> memref<32x128xf32, #tpu.memory_space<vmem>>
    %dma_start3A_76 = arith.constant 0 : i32
    %dma_start3A_77 = tpu.memref_slice %arg5[%dma_start3A_76, %multiple_of3A_55] : memref<32x1000000xf32, #tpu.memory_space<hbm>> -> memref<32x128xf32, #tpu.memory_space<hbm>>
    %dma_start3A_78 = arith.constant 0 : i32
    %dma_start3A_79 = arith.constant 0 : i32
    %dma_start3A_80 = tpu.memref_slice %arg10[%dma_start3A_70, %dma_start3A_71, %dma_start3A_78, %dma_start3A_79] : memref<2x4x32x128xf32, #tpu.memory_space<vmem>> -> memref<1x1x32x128xf32, #tpu.memory_space<vmem>>
    %dma_start3A_81 = tpu.memref_squeeze %dma_start3A_80 : memref<1x1x32x128xf32, #tpu.memory_space<vmem>> -> memref<32x128xf32, #tpu.memory_space<vmem>>
    %dma_start3A_82 = arith.constant 0 : i32
    %dma_start3A_83 = tpu.memref_slice %arg5[%dma_start3A_82, %multiple_of3A_55] : memref<32x1000000xf32, #tpu.memory_space<hbm>> -> memref<32x128xf32, #tpu.memory_space<hbm>>
    tpu.enqueue_dma source(%dma_start3A_83 : memref<32x128xf32, #tpu.memory_space<hbm>>) target(%dma_start3A_81 : memref<32x128xf32, #tpu.memory_space<vmem>>) target_semaphore(%arg12 : memref<!tpu.dma_semaphore, #tpu.memory_space<semaphore_mem>>)
    %slice3A_84 = vector.extract_strided_slice %get3A_3 {offsets = [2], sizes = [1], strides = [1]} : vector<16xi32> to vector<1xi32>
    %squeeze3A_85 = vector.extract %slice3A_84[0] : i32 from vector<1xi32>
    %slice3A_86 = vector.extract_strided_slice %get3A_5 {offsets = [2], sizes = [1], strides = [1]} : vector<16xi32> to vector<1xi32>
    %squeeze3A_87 = vector.extract %slice3A_86[0] : i32 from vector<1xi32>
    %shift_right_arithmetic3A_88 = arith.constant 7 : i32
    %shift_right_arithmetic3A_89 = arith.shrsi %squeeze3A_85, %shift_right_arithmetic3A_88 : i32
    %shift_left3A_90 = arith.constant 7 : i32
    %shift_left3A_91 = arith.shli %shift_right_arithmetic3A_89, %shift_left3A_90 : i32
    %multiple_of3A_92 = tpu.assume_multiple %shift_left3A_91, 128 : i32
    %shift_right_arithmetic3A_93 = arith.constant 7 : i32
    %shift_right_arithmetic3A_94 = arith.shrsi %squeeze3A_87, %shift_right_arithmetic3A_93 : i32
    %shift_left3A_95 = arith.constant 7 : i32
    %shift_left3A_96 = arith.shli %shift_right_arithmetic3A_94, %shift_left3A_95 : i32
    %multiple_of3A_97 = tpu.assume_multiple %shift_left3A_96, 128 : i32
    %dma_start3A_98 = arith.constant 0 : i32
    %dma_start3A_99 = arith.constant 2 : i32
    %dma_start3A_100 = arith.constant 0 : i32
    %dma_start3A_101 = arith.constant 0 : i32
    %dma_start3A_102 = tpu.memref_slice %arg9[%dma_start3A_98, %dma_start3A_99, %dma_start3A_100, %dma_start3A_101] : memref<2x4x32x128xf32, #tpu.memory_space<vmem>> -> memref<1x1x32x128xf32, #tpu.memory_space<vmem>>
    %dma_start3A_103 = tpu.memref_squeeze %dma_start3A_102 : memref<1x1x32x128xf32, #tpu.memory_space<vmem>> -> memref<32x128xf32, #tpu.memory_space<vmem>>
    %dma_start3A_104 = arith.constant 0 : i32
    %dma_start3A_105 = tpu.memref_slice %arg4[%dma_start3A_104, %multiple_of3A_92] : memref<32x1000000xf32, #tpu.memory_space<hbm>> -> memref<32x128xf32, #tpu.memory_space<hbm>>
    %dma_start3A_106 = arith.constant 0 : i32
    %dma_start3A_107 = arith.constant 0 : i32
    %dma_start3A_108 = tpu.memref_slice %arg9[%dma_start3A_98, %dma_start3A_99, %dma_start3A_106, %dma_start3A_107] : memref<2x4x32x128xf32, #tpu.memory_space<vmem>> -> memref<1x1x32x128xf32, #tpu.memory_space<vmem>>
    %dma_start3A_109 = tpu.memref_squeeze %dma_start3A_108 : memref<1x1x32x128xf32, #tpu.memory_space<vmem>> -> memref<32x128xf32, #tpu.memory_space<vmem>>
    %dma_start3A_110 = arith.constant 0 : i32
    %dma_start3A_111 = tpu.memref_slice %arg4[%dma_start3A_110, %multiple_of3A_92] : memref<32x1000000xf32, #tpu.memory_space<hbm>> -> memref<32x128xf32, #tpu.memory_space<hbm>>
    tpu.enqueue_dma source(%dma_start3A_111 : memref<32x128xf32, #tpu.memory_space<hbm>>) target(%dma_start3A_109 : memref<32x128xf32, #tpu.memory_space<vmem>>) target_semaphore(%arg12 : memref<!tpu.dma_semaphore, #tpu.memory_space<semaphore_mem>>)
    %dma_start3A_112 = arith.constant 0 : i32
    %dma_start3A_113 = arith.constant 2 : i32
    %dma_start3A_114 = arith.constant 0 : i32
    %dma_start3A_115 = arith.constant 0 : i32
    %dma_start3A_116 = tpu.memref_slice %arg10[%dma_start3A_112, %dma_start3A_113, %dma_start3A_114, %dma_start3A_115] : memref<2x4x32x128xf32, #tpu.memory_space<vmem>> -> memref<1x1x32x128xf32, #tpu.memory_space<vmem>>
    %dma_start3A_117 = tpu.memref_squeeze %dma_start3A_116 : memref<1x1x32x128xf32, #tpu.memory_space<vmem>> -> memref<32x128xf32, #tpu.memory_space<vmem>>
    %dma_start3A_118 = arith.constant 0 : i32
    %dma_start3A_119 = tpu.memref_slice %arg5[%dma_start3A_118, %multiple_of3A_97] : memref<32x1000000xf32, #tpu.memory_space<hbm>> -> memref<32x128xf32, #tpu.memory_space<hbm>>
    %dma_start3A_120 = arith.constant 0 : i32
    %dma_start3A_121 = arith.constant 0 : i32
    %dma_start3A_122 = tpu.memref_slice %arg10[%dma_start3A_112, %dma_start3A_113, %dma_start3A_120, %dma_start3A_121] : memref<2x4x32x128xf32, #tpu.memory_space<vmem>> -> memref<1x1x32x128xf32, #tpu.memory_space<vmem>>
    %dma_start3A_123 = tpu.memref_squeeze %dma_start3A_122 : memref<1x1x32x128xf32, #tpu.memory_space<vmem>> -> memref<32x128xf32, #tpu.memory_space<vmem>>
    %dma_start3A_124 = arith.constant 0 : i32
    %dma_start3A_125 = tpu.memref_slice %arg5[%dma_start3A_124, %multiple_of3A_97] : memref<32x1000000xf32, #tpu.memory_space<hbm>> -> memref<32x128xf32, #tpu.memory_space<hbm>>
    tpu.enqueue_dma source(%dma_start3A_125 : memref<32x128xf32, #tpu.memory_space<hbm>>) target(%dma_start3A_123 : memref<32x128xf32, #tpu.memory_space<vmem>>) target_semaphore(%arg12 : memref<!tpu.dma_semaphore, #tpu.memory_space<semaphore_mem>>)
    %slice3A_126 = vector.extract_strided_slice %get3A_3 {offsets = [3], sizes = [1], strides = [1]} : vector<16xi32> to vector<1xi32>
    %squeeze3A_127 = vector.extract %slice3A_126[0] : i32 from vector<1xi32>
    %slice3A_128 = vector.extract_strided_slice %get3A_5 {offsets = [3], sizes = [1], strides = [1]} : vector<16xi32> to vector<1xi32>
    %squeeze3A_129 = vector.extract %slice3A_128[0] : i32 from vector<1xi32>
    %shift_right_arithmetic3A_130 = arith.constant 7 : i32
    %shift_right_arithmetic3A_131 = arith.shrsi %squeeze3A_127, %shift_right_arithmetic3A_130 : i32
    %shift_left3A_132 = arith.constant 7 : i32
    %shift_left3A_133 = arith.shli %shift_right_arithmetic3A_131, %shift_left3A_132 : i32
    %multiple_of3A_134 = tpu.assume_multiple %shift_left3A_133, 128 : i32
    %shift_right_arithmetic3A_135 = arith.constant 7 : i32
    %shift_right_arithmetic3A_136 = arith.shrsi %squeeze3A_129, %shift_right_arithmetic3A_135 : i32
    %shift_left3A_137 = arith.constant 7 : i32
    %shift_left3A_138 = arith.shli %shift_right_arithmetic3A_136, %shift_left3A_137 : i32
    %multiple_of3A_139 = tpu.assume_multiple %shift_left3A_138, 128 : i32
    %dma_start3A_140 = arith.constant 0 : i32
    %dma_start3A_141 = arith.constant 3 : i32
    %dma_start3A_142 = arith.constant 0 : i32
    %dma_start3A_143 = arith.constant 0 : i32
    %dma_start3A_144 = tpu.memref_slice %arg9[%dma_start3A_140, %dma_start3A_141, %dma_start3A_142, %dma_start3A_143] : memref<2x4x32x128xf32, #tpu.memory_space<vmem>> -> memref<1x1x32x128xf32, #tpu.memory_space<vmem>>
    %dma_start3A_145 = tpu.memref_squeeze %dma_start3A_144 : memref<1x1x32x128xf32, #tpu.memory_space<vmem>> -> memref<32x128xf32, #tpu.memory_space<vmem>>
    %dma_start3A_146 = arith.constant 0 : i32
    %dma_start3A_147 = tpu.memref_slice %arg4[%dma_start3A_146, %multiple_of3A_134] : memref<32x1000000xf32, #tpu.memory_space<hbm>> -> memref<32x128xf32, #tpu.memory_space<hbm>>
    %dma_start3A_148 = arith.constant 0 : i32
    %dma_start3A_149 = arith.constant 0 : i32
    %dma_start3A_150 = tpu.memref_slice %arg9[%dma_start3A_140, %dma_start3A_141, %dma_start3A_148, %dma_start3A_149] : memref<2x4x32x128xf32, #tpu.memory_space<vmem>> -> memref<1x1x32x128xf32, #tpu.memory_space<vmem>>
    %dma_start3A_151 = tpu.memref_squeeze %dma_start3A_150 : memref<1x1x32x128xf32, #tpu.memory_space<vmem>> -> memref<32x128xf32, #tpu.memory_space<vmem>>
    %dma_start3A_152 = arith.constant 0 : i32
    %dma_start3A_153 = tpu.memref_slice %arg4[%dma_start3A_152, %multiple_of3A_134] : memref<32x1000000xf32, #tpu.memory_space<hbm>> -> memref<32x128xf32, #tpu.memory_space<hbm>>
    tpu.enqueue_dma source(%dma_start3A_153 : memref<32x128xf32, #tpu.memory_space<hbm>>) target(%dma_start3A_151 : memref<32x128xf32, #tpu.memory_space<vmem>>) target_semaphore(%arg12 : memref<!tpu.dma_semaphore, #tpu.memory_space<semaphore_mem>>)
    %dma_start3A_154 = arith.constant 0 : i32
    %dma_start3A_155 = arith.constant 3 : i32
    %dma_start3A_156 = arith.constant 0 : i32
    %dma_start3A_157 = arith.constant 0 : i32
    %dma_start3A_158 = tpu.memref_slice %arg10[%dma_start3A_154, %dma_start3A_155, %dma_start3A_156, %dma_start3A_157] : memref<2x4x32x128xf32, #tpu.memory_space<vmem>> -> memref<1x1x32x128xf32, #tpu.memory_space<vmem>>
    %dma_start3A_159 = tpu.memref_squeeze %dma_start3A_158 : memref<1x1x32x128xf32, #tpu.memory_space<vmem>> -> memref<32x128xf32, #tpu.memory_space<vmem>>
    %dma_start3A_160 = arith.constant 0 : i32
    %dma_start3A_161 = tpu.memref_slice %arg5[%dma_start3A_160, %multiple_of3A_139] : memref<32x1000000xf32, #tpu.memory_space<hbm>> -> memref<32x128xf32, #tpu.memory_space<hbm>>
    %dma_start3A_162 = arith.constant 0 : i32
    %dma_start3A_163 = arith.constant 0 : i32
    %dma_start3A_164 = tpu.memref_slice %arg10[%dma_start3A_154, %dma_start3A_155, %dma_start3A_162, %dma_start3A_163] : memref<2x4x32x128xf32, #tpu.memory_space<vmem>> -> memref<1x1x32x128xf32, #tpu.memory_space<vmem>>
    %dma_start3A_165 = tpu.memref_squeeze %dma_start3A_164 : memref<1x1x32x128xf32, #tpu.memory_space<vmem>> -> memref<32x128xf32, #tpu.memory_space<vmem>>
    %dma_start3A_166 = arith.constant 0 : i32
    %dma_start3A_167 = tpu.memref_slice %arg5[%dma_start3A_166, %multiple_of3A_139] : memref<32x1000000xf32, #tpu.memory_space<hbm>> -> memref<32x128xf32, #tpu.memory_space<hbm>>
    tpu.enqueue_dma source(%dma_start3A_167 : memref<32x128xf32, #tpu.memory_space<hbm>>) target(%dma_start3A_165 : memref<32x128xf32, #tpu.memory_space<vmem>>) target_semaphore(%arg12 : memref<!tpu.dma_semaphore, #tpu.memory_space<semaphore_mem>>)
    %broadcast_in_dim3A = arith.constant 0.000000e+00 : f32
    %broadcast_in_dim3A_168 = vector.broadcast %broadcast_in_dim3A : f32 to vector<16xf32>
    %scan3A = arith.constant 0 : i32
    %scan3A_169 = arith.constant 64 : i32
    %scan3A_170 = arith.addi %scan3A, %scan3A_169 : i32
    %scan3A_171 = arith.constant 1 : i32
    %scan3A_172 = scf.for %scan3A_174 = %scan3A to %scan3A_170 step %scan3A_171 iter_args(%scan3A_175 = %broadcast_in_dim3A_168) -> (vector<16xf32>)  : i32 {
      %mul3A_176 = arith.constant 2 : i32
      %mul3A_177 = arith.muli %scan3A_174, %mul3A_176 : i32
      %add3A_178 = arith.constant 1 : i32
      %add3A_179 = arith.addi %mul3A_177, %add3A_178 : i32
      %mul3A_180 = arith.constant 4 : i32
      %mul3A_181 = arith.muli %add3A_179, %mul3A_180 : i32
      %get3A_182 = arith.index_cast %mul3A_181 : i32 to index
      %get3A_183 = tpu.vector_load %arg7[%get3A_182] {strides = array<i32>} : memref<528xi32, #tpu.memory_space<vmem>>, vector<16xi32>,
      %mul3A_184 = arith.constant 4 : i32
      %mul3A_185 = arith.muli %add3A_179, %mul3A_184 : i32
      %get3A_186 = arith.index_cast %mul3A_185 : i32 to index
      %get3A_187 = tpu.vector_load %arg8[%get3A_186] {strides = array<i32>} : memref<528xi32, #tpu.memory_space<vmem>>, vector<16xi32>,
      %slice3A_188 = vector.extract_strided_slice %get3A_183 {offsets = [0], sizes = [1], strides = [1]} : vector<16xi32> to vector<1xi32>
      %squeeze3A_189 = vector.extract %slice3A_188[0] : i32 from vector<1xi32>
      %slice3A_190 = vector.extract_strided_slice %get3A_187 {offsets = [0], sizes = [1], strides = [1]} : vector<16xi32> to vector<1xi32>
      %squeeze3A_191 = vector.extract %slice3A_190[0] : i32 from vector<1xi32>
      %shift_right_arithmetic3A_192 = arith.constant 7 : i32
      %shift_right_arithmetic3A_193 = arith.shrsi %squeeze3A_189, %shift_right_arithmetic3A_192 : i32
      %shift_left3A_194 = arith.constant 7 : i32
      %shift_left3A_195 = arith.shli %shift_right_arithmetic3A_193, %shift_left3A_194 : i32
      %multiple_of3A_196 = tpu.assume_multiple %shift_left3A_195, 128 : i32
      %shift_right_arithmetic3A_197 = arith.constant 7 : i32
      %shift_right_arithmetic3A_198 = arith.shrsi %squeeze3A_191, %shift_right_arithmetic3A_197 : i32
      %shift_left3A_199 = arith.constant 7 : i32
      %shift_left3A_200 = arith.shli %shift_right_arithmetic3A_198, %shift_left3A_199 : i32
      %multiple_of3A_201 = tpu.assume_multiple %shift_left3A_200, 128 : i32
      %dma_start3A_202 = arith.constant 1 : i32
      %dma_start3A_203 = arith.constant 0 : i32
      %dma_start3A_204 = arith.constant 0 : i32
      %dma_start3A_205 = arith.constant 0 : i32
      %dma_start3A_206 = tpu.memref_slice %arg9[%dma_start3A_202, %dma_start3A_203, %dma_start3A_204, %dma_start3A_205] : memref<2x4x32x128xf32, #tpu.memory_space<vmem>> -> memref<1x1x32x128xf32, #tpu.memory_space<vmem>>
      %dma_start3A_207 = tpu.memref_squeeze %dma_start3A_206 : memref<1x1x32x128xf32, #tpu.memory_space<vmem>> -> memref<32x128xf32, #tpu.memory_space<vmem>>
      %dma_start3A_208 = arith.constant 0 : i32
      %dma_start3A_209 = tpu.memref_slice %arg4[%dma_start3A_208, %multiple_of3A_196] : memref<32x1000000xf32, #tpu.memory_space<hbm>> -> memref<32x128xf32, #tpu.memory_space<hbm>>
      %dma_start3A_210 = arith.constant 0 : i32
      %dma_start3A_211 = arith.constant 0 : i32
      %dma_start3A_212 = tpu.memref_slice %arg9[%dma_start3A_202, %dma_start3A_203, %dma_start3A_210, %dma_start3A_211] : memref<2x4x32x128xf32, #tpu.memory_space<vmem>> -> memref<1x1x32x128xf32, #tpu.memory_space<vmem>>
      %dma_start3A_213 = tpu.memref_squeeze %dma_start3A_212 : memref<1x1x32x128xf32, #tpu.memory_space<vmem>> -> memref<32x128xf32, #tpu.memory_space<vmem>>
      %dma_start3A_214 = arith.constant 0 : i32
      %dma_start3A_215 = tpu.memref_slice %arg4[%dma_start3A_214, %multiple_of3A_196] : memref<32x1000000xf32, #tpu.memory_space<hbm>> -> memref<32x128xf32, #tpu.memory_space<hbm>>
      tpu.enqueue_dma source(%dma_start3A_215 : memref<32x128xf32, #tpu.memory_space<hbm>>) target(%dma_start3A_213 : memref<32x128xf32, #tpu.memory_space<vmem>>) target_semaphore(%arg13 : memref<!tpu.dma_semaphore, #tpu.memory_space<semaphore_mem>>)
      %dma_start3A_216 = arith.constant 1 : i32
      %dma_start3A_217 = arith.constant 0 : i32
      %dma_start3A_218 = arith.constant 0 : i32
      %dma_start3A_219 = arith.constant 0 : i32
      %dma_start3A_220 = tpu.memref_slice %arg10[%dma_start3A_216, %dma_start3A_217, %dma_start3A_218, %dma_start3A_219] : memref<2x4x32x128xf32, #tpu.memory_space<vmem>> -> memref<1x1x32x128xf32, #tpu.memory_space<vmem>>
      %dma_start3A_221 = tpu.memref_squeeze %dma_start3A_220 : memref<1x1x32x128xf32, #tpu.memory_space<vmem>> -> memref<32x128xf32, #tpu.memory_space<vmem>>
      %dma_start3A_222 = arith.constant 0 : i32
      %dma_start3A_223 = tpu.memref_slice %arg5[%dma_start3A_222, %multiple_of3A_201] : memref<32x1000000xf32, #tpu.memory_space<hbm>> -> memref<32x128xf32, #tpu.memory_space<hbm>>
      %dma_start3A_224 = arith.constant 0 : i32
      %dma_start3A_225 = arith.constant 0 : i32
      %dma_start3A_226 = tpu.memref_slice %arg10[%dma_start3A_216, %dma_start3A_217, %dma_start3A_224, %dma_start3A_225] : memref<2x4x32x128xf32, #tpu.memory_space<vmem>> -> memref<1x1x32x128xf32, #tpu.memory_space<vmem>>
      %dma_start3A_227 = tpu.memref_squeeze %dma_start3A_226 : memref<1x1x32x128xf32, #tpu.memory_space<vmem>> -> memref<32x128xf32, #tpu.memory_space<vmem>>
      %dma_start3A_228 = arith.constant 0 : i32
      %dma_start3A_229 = tpu.memref_slice %arg5[%dma_start3A_228, %multiple_of3A_201] : memref<32x1000000xf32, #tpu.memory_space<hbm>> -> memref<32x128xf32, #tpu.memory_space<hbm>>
      tpu.enqueue_dma source(%dma_start3A_229 : memref<32x128xf32, #tpu.memory_space<hbm>>) target(%dma_start3A_227 : memref<32x128xf32, #tpu.memory_space<vmem>>) target_semaphore(%arg13 : memref<!tpu.dma_semaphore, #tpu.memory_space<semaphore_mem>>)
      %slice3A_230 = vector.extract_strided_slice %get3A_183 {offsets = [1], sizes = [1], strides = [1]} : vector<16xi32> to vector<1xi32>
      %squeeze3A_231 = vector.extract %slice3A_230[0] : i32 from vector<1xi32>
      %slice3A_232 = vector.extract_strided_slice %get3A_187 {offsets = [1], sizes = [1], strides = [1]} : vector<16xi32> to vector<1xi32>
      %squeeze3A_233 = vector.extract %slice3A_232[0] : i32 from vector<1xi32>
      %shift_right_arithmetic3A_234 = arith.constant 7 : i32
      %shift_right_arithmetic3A_235 = arith.shrsi %squeeze3A_231, %shift_right_arithmetic3A_234 : i32
      %shift_left3A_236 = arith.constant 7 : i32
      %shift_left3A_237 = arith.shli %shift_right_arithmetic3A_235, %shift_left3A_236 : i32
      %multiple_of3A_238 = tpu.assume_multiple %shift_left3A_237, 128 : i32
      %shift_right_arithmetic3A_239 = arith.constant 7 : i32
      %shift_right_arithmetic3A_240 = arith.shrsi %squeeze3A_233, %shift_right_arithmetic3A_239 : i32
      %shift_left3A_241 = arith.constant 7 : i32
      %shift_left3A_242 = arith.shli %shift_right_arithmetic3A_240, %shift_left3A_241 : i32
      %multiple_of3A_243 = tpu.assume_multiple %shift_left3A_242, 128 : i32
      %dma_start3A_244 = arith.constant 1 : i32
      %dma_start3A_245 = arith.constant 1 : i32
      %dma_start3A_246 = arith.constant 0 : i32
      %dma_start3A_247 = arith.constant 0 : i32
      %dma_start3A_248 = tpu.memref_slice %arg9[%dma_start3A_244, %dma_start3A_245, %dma_start3A_246, %dma_start3A_247] : memref<2x4x32x128xf32, #tpu.memory_space<vmem>> -> memref<1x1x32x128xf32, #tpu.memory_space<vmem>>
      %dma_start3A_249 = tpu.memref_squeeze %dma_start3A_248 : memref<1x1x32x128xf32, #tpu.memory_space<vmem>> -> memref<32x128xf32, #tpu.memory_space<vmem>>
      %dma_start3A_250 = arith.constant 0 : i32
      %dma_start3A_251 = tpu.memref_slice %arg4[%dma_start3A_250, %multiple_of3A_238] : memref<32x1000000xf32, #tpu.memory_space<hbm>> -> memref<32x128xf32, #tpu.memory_space<hbm>>
      %dma_start3A_252 = arith.constant 0 : i32
      %dma_start3A_253 = arith.constant 0 : i32
      %dma_start3A_254 = tpu.memref_slice %arg9[%dma_start3A_244, %dma_start3A_245, %dma_start3A_252, %dma_start3A_253] : memref<2x4x32x128xf32, #tpu.memory_space<vmem>> -> memref<1x1x32x128xf32, #tpu.memory_space<vmem>>
      %dma_start3A_255 = tpu.memref_squeeze %dma_start3A_254 : memref<1x1x32x128xf32, #tpu.memory_space<vmem>> -> memref<32x128xf32, #tpu.memory_space<vmem>>
      %dma_start3A_256 = arith.constant 0 : i32
      %dma_start3A_257 = tpu.memref_slice %arg4[%dma_start3A_256, %multiple_of3A_238] : memref<32x1000000xf32, #tpu.memory_space<hbm>> -> memref<32x128xf32, #tpu.memory_space<hbm>>
      tpu.enqueue_dma source(%dma_start3A_257 : memref<32x128xf32, #tpu.memory_space<hbm>>) target(%dma_start3A_255 : memref<32x128xf32, #tpu.memory_space<vmem>>) target_semaphore(%arg13 : memref<!tpu.dma_semaphore, #tpu.memory_space<semaphore_mem>>)
      %dma_start3A_258 = arith.constant 1 : i32
      %dma_start3A_259 = arith.constant 1 : i32
      %dma_start3A_260 = arith.constant 0 : i32
      %dma_start3A_261 = arith.constant 0 : i32
      %dma_start3A_262 = tpu.memref_slice %arg10[%dma_start3A_258, %dma_start3A_259, %dma_start3A_260, %dma_start3A_261] : memref<2x4x32x128xf32, #tpu.memory_space<vmem>> -> memref<1x1x32x128xf32, #tpu.memory_space<vmem>>
      %dma_start3A_263 = tpu.memref_squeeze %dma_start3A_262 : memref<1x1x32x128xf32, #tpu.memory_space<vmem>> -> memref<32x128xf32, #tpu.memory_space<vmem>>
      %dma_start3A_264 = arith.constant 0 : i32
      %dma_start3A_265 = tpu.memref_slice %arg5[%dma_start3A_264, %multiple_of3A_243] : memref<32x1000000xf32, #tpu.memory_space<hbm>> -> memref<32x128xf32, #tpu.memory_space<hbm>>
      %dma_start3A_266 = arith.constant 0 : i32
      %dma_start3A_267 = arith.constant 0 : i32
      %dma_start3A_268 = tpu.memref_slice %arg10[%dma_start3A_258, %dma_start3A_259, %dma_start3A_266, %dma_start3A_267] : memref<2x4x32x128xf32, #tpu.memory_space<vmem>> -> memref<1x1x32x128xf32, #tpu.memory_space<vmem>>
      %dma_start3A_269 = tpu.memref_squeeze %dma_start3A_268 : memref<1x1x32x128xf32, #tpu.memory_space<vmem>> -> memref<32x128xf32, #tpu.memory_space<vmem>>
      %dma_start3A_270 = arith.constant 0 : i32
      %dma_start3A_271 = tpu.memref_slice %arg5[%dma_start3A_270, %multiple_of3A_243] : memref<32x1000000xf32, #tpu.memory_space<hbm>> -> memref<32x128xf32, #tpu.memory_space<hbm>>
      tpu.enqueue_dma source(%dma_start3A_271 : memref<32x128xf32, #tpu.memory_space<hbm>>) target(%dma_start3A_269 : memref<32x128xf32, #tpu.memory_space<vmem>>) target_semaphore(%arg13 : memref<!tpu.dma_semaphore, #tpu.memory_space<semaphore_mem>>)
      %slice3A_272 = vector.extract_strided_slice %get3A_183 {offsets = [2], sizes = [1], strides = [1]} : vector<16xi32> to vector<1xi32>
      %squeeze3A_273 = vector.extract %slice3A_272[0] : i32 from vector<1xi32>
      %slice3A_274 = vector.extract_strided_slice %get3A_187 {offsets = [2], sizes = [1], strides = [1]} : vector<16xi32> to vector<1xi32>
      %squeeze3A_275 = vector.extract %slice3A_274[0] : i32 from vector<1xi32>
      %shift_right_arithmetic3A_276 = arith.constant 7 : i32
      %shift_right_arithmetic3A_277 = arith.shrsi %squeeze3A_273, %shift_right_arithmetic3A_276 : i32
      %shift_left3A_278 = arith.constant 7 : i32
      %shift_left3A_279 = arith.shli %shift_right_arithmetic3A_277, %shift_left3A_278 : i32
      %multiple_of3A_280 = tpu.assume_multiple %shift_left3A_279, 128 : i32
      %shift_right_arithmetic3A_281 = arith.constant 7 : i32
      %shift_right_arithmetic3A_282 = arith.shrsi %squeeze3A_275, %shift_right_arithmetic3A_281 : i32
      %shift_left3A_283 = arith.constant 7 : i32
      %shift_left3A_284 = arith.shli %shift_right_arithmetic3A_282, %shift_left3A_283 : i32
      %multiple_of3A_285 = tpu.assume_multiple %shift_left3A_284, 128 : i32
      %dma_start3A_286 = arith.constant 1 : i32
      %dma_start3A_287 = arith.constant 2 : i32
      %dma_start3A_288 = arith.constant 0 : i32
      %dma_start3A_289 = arith.constant 0 : i32
      %dma_start3A_290 = tpu.memref_slice %arg9[%dma_start3A_286, %dma_start3A_287, %dma_start3A_288, %dma_start3A_289] : memref<2x4x32x128xf32, #tpu.memory_space<vmem>> -> memref<1x1x32x128xf32, #tpu.memory_space<vmem>>
      %dma_start3A_291 = tpu.memref_squeeze %dma_start3A_290 : memref<1x1x32x128xf32, #tpu.memory_space<vmem>> -> memref<32x128xf32, #tpu.memory_space<vmem>>
      %dma_start3A_292 = arith.constant 0 : i32
      %dma_start3A_293 = tpu.memref_slice %arg4[%dma_start3A_292, %multiple_of3A_280] : memref<32x1000000xf32, #tpu.memory_space<hbm>> -> memref<32x128xf32, #tpu.memory_space<hbm>>
      %dma_start3A_294 = arith.constant 0 : i32
      %dma_start3A_295 = arith.constant 0 : i32
      %dma_start3A_296 = tpu.memref_slice %arg9[%dma_start3A_286, %dma_start3A_287, %dma_start3A_294, %dma_start3A_295] : memref<2x4x32x128xf32, #tpu.memory_space<vmem>> -> memref<1x1x32x128xf32, #tpu.memory_space<vmem>>
      %dma_start3A_297 = tpu.memref_squeeze %dma_start3A_296 : memref<1x1x32x128xf32, #tpu.memory_space<vmem>> -> memref<32x128xf32, #tpu.memory_space<vmem>>
      %dma_start3A_298 = arith.constant 0 : i32
      %dma_start3A_299 = tpu.memref_slice %arg4[%dma_start3A_298, %multiple_of3A_280] : memref<32x1000000xf32, #tpu.memory_space<hbm>> -> memref<32x128xf32, #tpu.memory_space<hbm>>
      tpu.enqueue_dma source(%dma_start3A_299 : memref<32x128xf32, #tpu.memory_space<hbm>>) target(%dma_start3A_297 : memref<32x128xf32, #tpu.memory_space<vmem>>) target_semaphore(%arg13 : memref<!tpu.dma_semaphore, #tpu.memory_space<semaphore_mem>>)
      %dma_start3A_300 = arith.constant 1 : i32
      %dma_start3A_301 = arith.constant 2 : i32
      %dma_start3A_302 = arith.constant 0 : i32
      %dma_start3A_303 = arith.constant 0 : i32
      %dma_start3A_304 = tpu.memref_slice %arg10[%dma_start3A_300, %dma_start3A_301, %dma_start3A_302, %dma_start3A_303] : memref<2x4x32x128xf32, #tpu.memory_space<vmem>> -> memref<1x1x32x128xf32, #tpu.memory_space<vmem>>
      %dma_start3A_305 = tpu.memref_squeeze %dma_start3A_304 : memref<1x1x32x128xf32, #tpu.memory_space<vmem>> -> memref<32x128xf32, #tpu.memory_space<vmem>>
      %dma_start3A_306 = arith.constant 0 : i32
      %dma_start3A_307 = tpu.memref_slice %arg5[%dma_start3A_306, %multiple_of3A_285] : memref<32x1000000xf32, #tpu.memory_space<hbm>> -> memref<32x128xf32, #tpu.memory_space<hbm>>
      %dma_start3A_308 = arith.constant 0 : i32
      %dma_start3A_309 = arith.constant 0 : i32
      %dma_start3A_310 = tpu.memref_slice %arg10[%dma_start3A_300, %dma_start3A_301, %dma_start3A_308, %dma_start3A_309] : memref<2x4x32x128xf32, #tpu.memory_space<vmem>> -> memref<1x1x32x128xf32, #tpu.memory_space<vmem>>
      %dma_start3A_311 = tpu.memref_squeeze %dma_start3A_310 : memref<1x1x32x128xf32, #tpu.memory_space<vmem>> -> memref<32x128xf32, #tpu.memory_space<vmem>>
      %dma_start3A_312 = arith.constant 0 : i32
      %dma_start3A_313 = tpu.memref_slice %arg5[%dma_start3A_312, %multiple_of3A_285] : memref<32x1000000xf32, #tpu.memory_space<hbm>> -> memref<32x128xf32, #tpu.memory_space<hbm>>
      tpu.enqueue_dma source(%dma_start3A_313 : memref<32x128xf32, #tpu.memory_space<hbm>>) target(%dma_start3A_311 : memref<32x128xf32, #tpu.memory_space<vmem>>) target_semaphore(%arg13 : memref<!tpu.dma_semaphore, #tpu.memory_space<semaphore_mem>>)
      %slice3A_314 = vector.extract_strided_slice %get3A_183 {offsets = [3], sizes = [1], strides = [1]} : vector<16xi32> to vector<1xi32>
      %squeeze3A_315 = vector.extract %slice3A_314[0] : i32 from vector<1xi32>
      %slice3A_316 = vector.extract_strided_slice %get3A_187 {offsets = [3], sizes = [1], strides = [1]} : vector<16xi32> to vector<1xi32>
      %squeeze3A_317 = vector.extract %slice3A_316[0] : i32 from vector<1xi32>
      %shift_right_arithmetic3A_318 = arith.constant 7 : i32
      %shift_right_arithmetic3A_319 = arith.shrsi %squeeze3A_315, %shift_right_arithmetic3A_318 : i32
      %shift_left3A_320 = arith.constant 7 : i32
      %shift_left3A_321 = arith.shli %shift_right_arithmetic3A_319, %shift_left3A_320 : i32
      %multiple_of3A_322 = tpu.assume_multiple %shift_left3A_321, 128 : i32
      %shift_right_arithmetic3A_323 = arith.constant 7 : i32
      %shift_right_arithmetic3A_324 = arith.shrsi %squeeze3A_317, %shift_right_arithmetic3A_323 : i32
      %shift_left3A_325 = arith.constant 7 : i32
      %shift_left3A_326 = arith.shli %shift_right_arithmetic3A_324, %shift_left3A_325 : i32
      %multiple_of3A_327 = tpu.assume_multiple %shift_left3A_326, 128 : i32
      %dma_start3A_328 = arith.constant 1 : i32
      %dma_start3A_329 = arith.constant 3 : i32
      %dma_start3A_330 = arith.constant 0 : i32
      %dma_start3A_331 = arith.constant 0 : i32
      %dma_start3A_332 = tpu.memref_slice %arg9[%dma_start3A_328, %dma_start3A_329, %dma_start3A_330, %dma_start3A_331] : memref<2x4x32x128xf32, #tpu.memory_space<vmem>> -> memref<1x1x32x128xf32, #tpu.memory_space<vmem>>
      %dma_start3A_333 = tpu.memref_squeeze %dma_start3A_332 : memref<1x1x32x128xf32, #tpu.memory_space<vmem>> -> memref<32x128xf32, #tpu.memory_space<vmem>>
      %dma_start3A_334 = arith.constant 0 : i32
      %dma_start3A_335 = tpu.memref_slice %arg4[%dma_start3A_334, %multiple_of3A_322] : memref<32x1000000xf32, #tpu.memory_space<hbm>> -> memref<32x128xf32, #tpu.memory_space<hbm>>
      %dma_start3A_336 = arith.constant 0 : i32
      %dma_start3A_337 = arith.constant 0 : i32
      %dma_start3A_338 = tpu.memref_slice %arg9[%dma_start3A_328, %dma_start3A_329, %dma_start3A_336, %dma_start3A_337] : memref<2x4x32x128xf32, #tpu.memory_space<vmem>> -> memref<1x1x32x128xf32, #tpu.memory_space<vmem>>
      %dma_start3A_339 = tpu.memref_squeeze %dma_start3A_338 : memref<1x1x32x128xf32, #tpu.memory_space<vmem>> -> memref<32x128xf32, #tpu.memory_space<vmem>>
      %dma_start3A_340 = arith.constant 0 : i32
      %dma_start3A_341 = tpu.memref_slice %arg4[%dma_start3A_340, %multiple_of3A_322] : memref<32x1000000xf32, #tpu.memory_space<hbm>> -> memref<32x128xf32, #tpu.memory_space<hbm>>
      tpu.enqueue_dma source(%dma_start3A_341 : memref<32x128xf32, #tpu.memory_space<hbm>>) target(%dma_start3A_339 : memref<32x128xf32, #tpu.memory_space<vmem>>) target_semaphore(%arg13 : memref<!tpu.dma_semaphore, #tpu.memory_space<semaphore_mem>>)
      %dma_start3A_342 = arith.constant 1 : i32
      %dma_start3A_343 = arith.constant 3 : i32
      %dma_start3A_344 = arith.constant 0 : i32
      %dma_start3A_345 = arith.constant 0 : i32
      %dma_start3A_346 = tpu.memref_slice %arg10[%dma_start3A_342, %dma_start3A_343, %dma_start3A_344, %dma_start3A_345] : memref<2x4x32x128xf32, #tpu.memory_space<vmem>> -> memref<1x1x32x128xf32, #tpu.memory_space<vmem>>
      %dma_start3A_347 = tpu.memref_squeeze %dma_start3A_346 : memref<1x1x32x128xf32, #tpu.memory_space<vmem>> -> memref<32x128xf32, #tpu.memory_space<vmem>>
      %dma_start3A_348 = arith.constant 0 : i32
      %dma_start3A_349 = tpu.memref_slice %arg5[%dma_start3A_348, %multiple_of3A_327] : memref<32x1000000xf32, #tpu.memory_space<hbm>> -> memref<32x128xf32, #tpu.memory_space<hbm>>
      %dma_start3A_350 = arith.constant 0 : i32
      %dma_start3A_351 = arith.constant 0 : i32
      %dma_start3A_352 = tpu.memref_slice %arg10[%dma_start3A_342, %dma_start3A_343, %dma_start3A_350, %dma_start3A_351] : memref<2x4x32x128xf32, #tpu.memory_space<vmem>> -> memref<1x1x32x128xf32, #tpu.memory_space<vmem>>
      %dma_start3A_353 = tpu.memref_squeeze %dma_start3A_352 : memref<1x1x32x128xf32, #tpu.memory_space<vmem>> -> memref<32x128xf32, #tpu.memory_space<vmem>>
      %dma_start3A_354 = arith.constant 0 : i32
      %dma_start3A_355 = tpu.memref_slice %arg5[%dma_start3A_354, %multiple_of3A_327] : memref<32x1000000xf32, #tpu.memory_space<hbm>> -> memref<32x128xf32, #tpu.memory_space<hbm>>
      tpu.enqueue_dma source(%dma_start3A_355 : memref<32x128xf32, #tpu.memory_space<hbm>>) target(%dma_start3A_353 : memref<32x128xf32, #tpu.memory_space<vmem>>) target_semaphore(%arg13 : memref<!tpu.dma_semaphore, #tpu.memory_space<semaphore_mem>>)
      %dma_wait3A = arith.constant 0 : i32
      %dma_wait3A_356 = arith.constant 0 : i32
      %dma_wait3A_357 = arith.constant 0 : i32
      %dma_wait3A_358 = arith.constant 0 : i32
      %dma_wait3A_359 = tpu.memref_slice %arg9[%dma_wait3A, %dma_wait3A_356, %dma_wait3A_357, %dma_wait3A_358] : memref<2x4x32x128xf32, #tpu.memory_space<vmem>> -> memref<1x1x32x128xf32, #tpu.memory_space<vmem>>
      %dma_wait3A_360 = tpu.memref_squeeze %dma_wait3A_359 : memref<1x1x32x128xf32, #tpu.memory_space<vmem>> -> memref<32x128xf32, #tpu.memory_space<vmem>>
      %dma_wait3A_361 = arith.constant 0 : i32
      %dma_wait3A_362 = arith.constant 0 : i32
      %dma_wait3A_363 = tpu.memref_slice %arg4[%dma_wait3A_361, %dma_wait3A_362] : memref<32x1000000xf32, #tpu.memory_space<hbm>> -> memref<32x128xf32, #tpu.memory_space<hbm>>
      %dma_wait3A_364 = arith.constant 0 : i32
      %dma_wait3A_365 = arith.constant 0 : i32
      %dma_wait3A_366 = tpu.memref_slice %arg9[%dma_wait3A, %dma_wait3A_356, %dma_wait3A_364, %dma_wait3A_365] : memref<2x4x32x128xf32, #tpu.memory_space<vmem>> -> memref<1x1x32x128xf32, #tpu.memory_space<vmem>>
      %dma_wait3A_367 = tpu.memref_squeeze %dma_wait3A_366 : memref<1x1x32x128xf32, #tpu.memory_space<vmem>> -> memref<32x128xf32, #tpu.memory_space<vmem>>
      %dma_wait3A_368 = arith.constant 0 : i32
      %dma_wait3A_369 = arith.constant 0 : i32
      %dma_wait3A_370 = tpu.memref_slice %arg4[%dma_wait3A_368, %dma_wait3A_369] : memref<32x1000000xf32, #tpu.memory_space<hbm>> -> memref<32x128xf32, #tpu.memory_space<hbm>>
      tpu.wait_dma2 semaphore(%arg12 : memref<!tpu.dma_semaphore, #tpu.memory_space<semaphore_mem>>) src(%dma_wait3A_370 : memref<32x128xf32, #tpu.memory_space<hbm>>) dst(%dma_wait3A_367 : memref<32x128xf32, #tpu.memory_space<vmem>>)
      %dma_wait3A_371 = arith.constant 0 : i32
      %dma_wait3A_372 = arith.constant 0 : i32
      %dma_wait3A_373 = arith.constant 0 : i32
      %dma_wait3A_374 = arith.constant 0 : i32
      %dma_wait3A_375 = tpu.memref_slice %arg10[%dma_wait3A_371, %dma_wait3A_372, %dma_wait3A_373, %dma_wait3A_374] : memref<2x4x32x128xf32, #tpu.memory_space<vmem>> -> memref<1x1x32x128xf32, #tpu.memory_space<vmem>>
      %dma_wait3A_376 = tpu.memref_squeeze %dma_wait3A_375 : memref<1x1x32x128xf32, #tpu.memory_space<vmem>> -> memref<32x128xf32, #tpu.memory_space<vmem>>
      %dma_wait3A_377 = arith.constant 0 : i32
      %dma_wait3A_378 = arith.constant 0 : i32
      %dma_wait3A_379 = tpu.memref_slice %arg5[%dma_wait3A_377, %dma_wait3A_378] : memref<32x1000000xf32, #tpu.memory_space<hbm>> -> memref<32x128xf32, #tpu.memory_space<hbm>>
      %dma_wait3A_380 = arith.constant 0 : i32
      %dma_wait3A_381 = arith.constant 0 : i32
      %dma_wait3A_382 = tpu.memref_slice %arg10[%dma_wait3A_371, %dma_wait3A_372, %dma_wait3A_380, %dma_wait3A_381] : memref<2x4x32x128xf32, #tpu.memory_space<vmem>> -> memref<1x1x32x128xf32, #tpu.memory_space<vmem>>
      %dma_wait3A_383 = tpu.memref_squeeze %dma_wait3A_382 : memref<1x1x32x128xf32, #tpu.memory_space<vmem>> -> memref<32x128xf32, #tpu.memory_space<vmem>>
      %dma_wait3A_384 = arith.constant 0 : i32
      %dma_wait3A_385 = arith.constant 0 : i32
      %dma_wait3A_386 = tpu.memref_slice %arg5[%dma_wait3A_384, %dma_wait3A_385] : memref<32x1000000xf32, #tpu.memory_space<hbm>> -> memref<32x128xf32, #tpu.memory_space<hbm>>
      tpu.wait_dma2 semaphore(%arg12 : memref<!tpu.dma_semaphore, #tpu.memory_space<semaphore_mem>>) src(%dma_wait3A_386 : memref<32x128xf32, #tpu.memory_space<hbm>>) dst(%dma_wait3A_383 : memref<32x128xf32, #tpu.memory_space<vmem>>)
      %dma_wait3A_387 = arith.constant 0 : i32
      %dma_wait3A_388 = arith.constant 1 : i32
      %dma_wait3A_389 = arith.constant 0 : i32
      %dma_wait3A_390 = arith.constant 0 : i32
      %dma_wait3A_391 = tpu.memref_slice %arg9[%dma_wait3A_387, %dma_wait3A_388, %dma_wait3A_389, %dma_wait3A_390] : memref<2x4x32x128xf32, #tpu.memory_space<vmem>> -> memref<1x1x32x128xf32, #tpu.memory_space<vmem>>
      %dma_wait3A_392 = tpu.memref_squeeze %dma_wait3A_391 : memref<1x1x32x128xf32, #tpu.memory_space<vmem>> -> memref<32x128xf32, #tpu.memory_space<vmem>>
      %dma_wait3A_393 = arith.constant 0 : i32
      %dma_wait3A_394 = arith.constant 0 : i32
      %dma_wait3A_395 = tpu.memref_slice %arg4[%dma_wait3A_393, %dma_wait3A_394] : memref<32x1000000xf32, #tpu.memory_space<hbm>> -> memref<32x128xf32, #tpu.memory_space<hbm>>
      %dma_wait3A_396 = arith.constant 0 : i32
      %dma_wait3A_397 = arith.constant 0 : i32
      %dma_wait3A_398 = tpu.memref_slice %arg9[%dma_wait3A_387, %dma_wait3A_388, %dma_wait3A_396, %dma_wait3A_397] : memref<2x4x32x128xf32, #tpu.memory_space<vmem>> -> memref<1x1x32x128xf32, #tpu.memory_space<vmem>>
      %dma_wait3A_399 = tpu.memref_squeeze %dma_wait3A_398 : memref<1x1x32x128xf32, #tpu.memory_space<vmem>> -> memref<32x128xf32, #tpu.memory_space<vmem>>
      %dma_wait3A_400 = arith.constant 0 : i32
      %dma_wait3A_401 = arith.constant 0 : i32
      %dma_wait3A_402 = tpu.memref_slice %arg4[%dma_wait3A_400, %dma_wait3A_401] : memref<32x1000000xf32, #tpu.memory_space<hbm>> -> memref<32x128xf32, #tpu.memory_space<hbm>>
      tpu.wait_dma2 semaphore(%arg12 : memref<!tpu.dma_semaphore, #tpu.memory_space<semaphore_mem>>) src(%dma_wait3A_402 : memref<32x128xf32, #tpu.memory_space<hbm>>) dst(%dma_wait3A_399 : memref<32x128xf32, #tpu.memory_space<vmem>>)
      %dma_wait3A_403 = arith.constant 0 : i32
      %dma_wait3A_404 = arith.constant 1 : i32
      %dma_wait3A_405 = arith.constant 0 : i32
      %dma_wait3A_406 = arith.constant 0 : i32
      %dma_wait3A_407 = tpu.memref_slice %arg10[%dma_wait3A_403, %dma_wait3A_404, %dma_wait3A_405, %dma_wait3A_406] : memref<2x4x32x128xf32, #tpu.memory_space<vmem>> -> memref<1x1x32x128xf32, #tpu.memory_space<vmem>>
      %dma_wait3A_408 = tpu.memref_squeeze %dma_wait3A_407 : memref<1x1x32x128xf32, #tpu.memory_space<vmem>> -> memref<32x128xf32, #tpu.memory_space<vmem>>
      %dma_wait3A_409 = arith.constant 0 : i32
      %dma_wait3A_410 = arith.constant 0 : i32
      %dma_wait3A_411 = tpu.memref_slice %arg5[%dma_wait3A_409, %dma_wait3A_410] : memref<32x1000000xf32, #tpu.memory_space<hbm>> -> memref<32x128xf32, #tpu.memory_space<hbm>>
      %dma_wait3A_412 = arith.constant 0 : i32
      %dma_wait3A_413 = arith.constant 0 : i32
      %dma_wait3A_414 = tpu.memref_slice %arg10[%dma_wait3A_403, %dma_wait3A_404, %dma_wait3A_412, %dma_wait3A_413] : memref<2x4x32x128xf32, #tpu.memory_space<vmem>> -> memref<1x1x32x128xf32, #tpu.memory_space<vmem>>
      %dma_wait3A_415 = tpu.memref_squeeze %dma_wait3A_414 : memref<1x1x32x128xf32, #tpu.memory_space<vmem>> -> memref<32x128xf32, #tpu.memory_space<vmem>>
      %dma_wait3A_416 = arith.constant 0 : i32
      %dma_wait3A_417 = arith.constant 0 : i32
      %dma_wait3A_418 = tpu.memref_slice %arg5[%dma_wait3A_416, %dma_wait3A_417] : memref<32x1000000xf32, #tpu.memory_space<hbm>> -> memref<32x128xf32, #tpu.memory_space<hbm>>
      tpu.wait_dma2 semaphore(%arg12 : memref<!tpu.dma_semaphore, #tpu.memory_space<semaphore_mem>>) src(%dma_wait3A_418 : memref<32x128xf32, #tpu.memory_space<hbm>>) dst(%dma_wait3A_415 : memref<32x128xf32, #tpu.memory_space<vmem>>)
      %dma_wait3A_419 = arith.constant 0 : i32
      %dma_wait3A_420 = arith.constant 2 : i32
      %dma_wait3A_421 = arith.constant 0 : i32
      %dma_wait3A_422 = arith.constant 0 : i32
      %dma_wait3A_423 = tpu.memref_slice %arg9[%dma_wait3A_419, %dma_wait3A_420, %dma_wait3A_421, %dma_wait3A_422] : memref<2x4x32x128xf32, #tpu.memory_space<vmem>> -> memref<1x1x32x128xf32, #tpu.memory_space<vmem>>
      %dma_wait3A_424 = tpu.memref_squeeze %dma_wait3A_423 : memref<1x1x32x128xf32, #tpu.memory_space<vmem>> -> memref<32x128xf32, #tpu.memory_space<vmem>>
      %dma_wait3A_425 = arith.constant 0 : i32
      %dma_wait3A_426 = arith.constant 0 : i32
      %dma_wait3A_427 = tpu.memref_slice %arg4[%dma_wait3A_425, %dma_wait3A_426] : memref<32x1000000xf32, #tpu.memory_space<hbm>> -> memref<32x128xf32, #tpu.memory_space<hbm>>
      %dma_wait3A_428 = arith.constant 0 : i32
      %dma_wait3A_429 = arith.constant 0 : i32
      %dma_wait3A_430 = tpu.memref_slice %arg9[%dma_wait3A_419, %dma_wait3A_420, %dma_wait3A_428, %dma_wait3A_429] : memref<2x4x32x128xf32, #tpu.memory_space<vmem>> -> memref<1x1x32x128xf32, #tpu.memory_space<vmem>>
      %dma_wait3A_431 = tpu.memref_squeeze %dma_wait3A_430 : memref<1x1x32x128xf32, #tpu.memory_space<vmem>> -> memref<32x128xf32, #tpu.memory_space<vmem>>
      %dma_wait3A_432 = arith.constant 0 : i32
      %dma_wait3A_433 = arith.constant 0 : i32
      %dma_wait3A_434 = tpu.memref_slice %arg4[%dma_wait3A_432, %dma_wait3A_433] : memref<32x1000000xf32, #tpu.memory_space<hbm>> -> memref<32x128xf32, #tpu.memory_space<hbm>>
      tpu.wait_dma2 semaphore(%arg12 : memref<!tpu.dma_semaphore, #tpu.memory_space<semaphore_mem>>) src(%dma_wait3A_434 : memref<32x128xf32, #tpu.memory_space<hbm>>) dst(%dma_wait3A_431 : memref<32x128xf32, #tpu.memory_space<vmem>>)
      %dma_wait3A_435 = arith.constant 0 : i32
      %dma_wait3A_436 = arith.constant 2 : i32
      %dma_wait3A_437 = arith.constant 0 : i32
      %dma_wait3A_438 = arith.constant 0 : i32
      %dma_wait3A_439 = tpu.memref_slice %arg10[%dma_wait3A_435, %dma_wait3A_436, %dma_wait3A_437, %dma_wait3A_438] : memref<2x4x32x128xf32, #tpu.memory_space<vmem>> -> memref<1x1x32x128xf32, #tpu.memory_space<vmem>>
      %dma_wait3A_440 = tpu.memref_squeeze %dma_wait3A_439 : memref<1x1x32x128xf32, #tpu.memory_space<vmem>> -> memref<32x128xf32, #tpu.memory_space<vmem>>
      %dma_wait3A_441 = arith.constant 0 : i32
      %dma_wait3A_442 = arith.constant 0 : i32
      %dma_wait3A_443 = tpu.memref_slice %arg5[%dma_wait3A_441, %dma_wait3A_442] : memref<32x1000000xf32, #tpu.memory_space<hbm>> -> memref<32x128xf32, #tpu.memory_space<hbm>>
      %dma_wait3A_444 = arith.constant 0 : i32
      %dma_wait3A_445 = arith.constant 0 : i32
      %dma_wait3A_446 = tpu.memref_slice %arg10[%dma_wait3A_435, %dma_wait3A_436, %dma_wait3A_444, %dma_wait3A_445] : memref<2x4x32x128xf32, #tpu.memory_space<vmem>> -> memref<1x1x32x128xf32, #tpu.memory_space<vmem>>
      %dma_wait3A_447 = tpu.memref_squeeze %dma_wait3A_446 : memref<1x1x32x128xf32, #tpu.memory_space<vmem>> -> memref<32x128xf32, #tpu.memory_space<vmem>>
      %dma_wait3A_448 = arith.constant 0 : i32
      %dma_wait3A_449 = arith.constant 0 : i32
      %dma_wait3A_450 = tpu.memref_slice %arg5[%dma_wait3A_448, %dma_wait3A_449] : memref<32x1000000xf32, #tpu.memory_space<hbm>> -> memref<32x128xf32, #tpu.memory_space<hbm>>
      tpu.wait_dma2 semaphore(%arg12 : memref<!tpu.dma_semaphore, #tpu.memory_space<semaphore_mem>>) src(%dma_wait3A_450 : memref<32x128xf32, #tpu.memory_space<hbm>>) dst(%dma_wait3A_447 : memref<32x128xf32, #tpu.memory_space<vmem>>)
      %dma_wait3A_451 = arith.constant 0 : i32
      %dma_wait3A_452 = arith.constant 3 : i32
      %dma_wait3A_453 = arith.constant 0 : i32
      %dma_wait3A_454 = arith.constant 0 : i32
      %dma_wait3A_455 = tpu.memref_slice %arg9[%dma_wait3A_451, %dma_wait3A_452, %dma_wait3A_453, %dma_wait3A_454] : memref<2x4x32x128xf32, #tpu.memory_space<vmem>> -> memref<1x1x32x128xf32, #tpu.memory_space<vmem>>
      %dma_wait3A_456 = tpu.memref_squeeze %dma_wait3A_455 : memref<1x1x32x128xf32, #tpu.memory_space<vmem>> -> memref<32x128xf32, #tpu.memory_space<vmem>>
      %dma_wait3A_457 = arith.constant 0 : i32
      %dma_wait3A_458 = arith.constant 0 : i32
      %dma_wait3A_459 = tpu.memref_slice %arg4[%dma_wait3A_457, %dma_wait3A_458] : memref<32x1000000xf32, #tpu.memory_space<hbm>> -> memref<32x128xf32, #tpu.memory_space<hbm>>
      %dma_wait3A_460 = arith.constant 0 : i32
      %dma_wait3A_461 = arith.constant 0 : i32
      %dma_wait3A_462 = tpu.memref_slice %arg9[%dma_wait3A_451, %dma_wait3A_452, %dma_wait3A_460, %dma_wait3A_461] : memref<2x4x32x128xf32, #tpu.memory_space<vmem>> -> memref<1x1x32x128xf32, #tpu.memory_space<vmem>>
      %dma_wait3A_463 = tpu.memref_squeeze %dma_wait3A_462 : memref<1x1x32x128xf32, #tpu.memory_space<vmem>> -> memref<32x128xf32, #tpu.memory_space<vmem>>
      %dma_wait3A_464 = arith.constant 0 : i32
      %dma_wait3A_465 = arith.constant 0 : i32
      %dma_wait3A_466 = tpu.memref_slice %arg4[%dma_wait3A_464, %dma_wait3A_465] : memref<32x1000000xf32, #tpu.memory_space<hbm>> -> memref<32x128xf32, #tpu.memory_space<hbm>>
      tpu.wait_dma2 semaphore(%arg12 : memref<!tpu.dma_semaphore, #tpu.memory_space<semaphore_mem>>) src(%dma_wait3A_466 : memref<32x128xf32, #tpu.memory_space<hbm>>) dst(%dma_wait3A_463 : memref<32x128xf32, #tpu.memory_space<vmem>>)
      %dma_wait3A_467 = arith.constant 0 : i32
      %dma_wait3A_468 = arith.constant 3 : i32
      %dma_wait3A_469 = arith.constant 0 : i32
      %dma_wait3A_470 = arith.constant 0 : i32
      %dma_wait3A_471 = tpu.memref_slice %arg10[%dma_wait3A_467, %dma_wait3A_468, %dma_wait3A_469, %dma_wait3A_470] : memref<2x4x32x128xf32, #tpu.memory_space<vmem>> -> memref<1x1x32x128xf32, #tpu.memory_space<vmem>>
      %dma_wait3A_472 = tpu.memref_squeeze %dma_wait3A_471 : memref<1x1x32x128xf32, #tpu.memory_space<vmem>> -> memref<32x128xf32, #tpu.memory_space<vmem>>
      %dma_wait3A_473 = arith.constant 0 : i32
      %dma_wait3A_474 = arith.constant 0 : i32
      %dma_wait3A_475 = tpu.memref_slice %arg5[%dma_wait3A_473, %dma_wait3A_474] : memref<32x1000000xf32, #tpu.memory_space<hbm>> -> memref<32x128xf32, #tpu.memory_space<hbm>>
      %dma_wait3A_476 = arith.constant 0 : i32
      %dma_wait3A_477 = arith.constant 0 : i32
      %dma_wait3A_478 = tpu.memref_slice %arg10[%dma_wait3A_467, %dma_wait3A_468, %dma_wait3A_476, %dma_wait3A_477] : memref<2x4x32x128xf32, #tpu.memory_space<vmem>> -> memref<1x1x32x128xf32, #tpu.memory_space<vmem>>
      %dma_wait3A_479 = tpu.memref_squeeze %dma_wait3A_478 : memref<1x1x32x128xf32, #tpu.memory_space<vmem>> -> memref<32x128xf32, #tpu.memory_space<vmem>>
      %dma_wait3A_480 = arith.constant 0 : i32
      %dma_wait3A_481 = arith.constant 0 : i32
      %dma_wait3A_482 = tpu.memref_slice %arg5[%dma_wait3A_480, %dma_wait3A_481] : memref<32x1000000xf32, #tpu.memory_space<hbm>> -> memref<32x128xf32, #tpu.memory_space<hbm>>
      tpu.wait_dma2 semaphore(%arg12 : memref<!tpu.dma_semaphore, #tpu.memory_space<semaphore_mem>>) src(%dma_wait3A_482 : memref<32x128xf32, #tpu.memory_space<hbm>>) dst(%dma_wait3A_479 : memref<32x128xf32, #tpu.memory_space<vmem>>)
      %broadcast_in_dim3A_483 = arith.constant 0 : i32
      %broadcast_in_dim3A_484 = vector.broadcast %broadcast_in_dim3A_483 : i32 to vector<16xi32>
      %mul3A_485 = arith.constant 4 : i32
      %mul3A_486 = arith.muli %mul3A_177, %mul3A_485 : i32
      %get3A_487 = arith.index_cast %mul3A_486 : i32 to index
      %get3A_488 = tpu.vector_load %arg7[%get3A_487] {strides = array<i32>} : memref<528xi32, #tpu.memory_space<vmem>>, vector<16xi32>,
      %and3A = arith.constant 127 : i32
      %and3A_489 = vector.broadcast %and3A : i32 to vector<16xi32>
      %and3A_490 = arith.andi %get3A_488, %and3A_489 : vector<16xi32>
      %mul3A_491 = arith.constant 4 : i32
      %mul3A_492 = arith.muli %mul3A_177, %mul3A_491 : i32
      %get3A_493 = arith.index_cast %mul3A_492 : i32 to index
      %get3A_494 = tpu.vector_load %arg8[%get3A_493] {strides = array<i32>} : memref<528xi32, #tpu.memory_space<vmem>>, vector<16xi32>,
      %and3A_495 = arith.constant 127 : i32
      %and3A_496 = vector.broadcast %and3A_495 : i32 to vector<16xi32>
      %and3A_497 = arith.andi %get3A_494, %and3A_496 : vector<16xi32>
      %mul3A_498 = arith.constant 4 : i32
      %mul3A_499 = arith.muli %mul3A_177, %mul3A_498 : i32
      %add3A_500 = arith.constant 0 : i32
      %add3A_501 = arith.addi %mul3A_499, %add3A_500 : i32
      %slice3A_502 = vector.extract_strided_slice %and3A_490 {offsets = [0], sizes = [1], strides = [1]} : vector<16xi32> to vector<1xi32>
      %squeeze3A_503 = vector.extract %slice3A_502[0] : i32 from vector<1xi32>
      %broadcast_in_dim3A_504 = vector.broadcast %squeeze3A_503 : i32 to vector<16xi32>
      %slice3A_505 = vector.extract_strided_slice %and3A_497 {offsets = [0], sizes = [1], strides = [1]} : vector<16xi32> to vector<1xi32>
      %squeeze3A_506 = vector.extract %slice3A_505[0] : i32 from vector<1xi32>
      %broadcast_in_dim3A_507 = vector.broadcast %squeeze3A_506 : i32 to vector<16xi32>
      %broadcast_in_dim3A_508 = arith.constant 0 : i32
      %broadcast_in_dim3A_509 = vector.broadcast %broadcast_in_dim3A_508 : i32 to vector<16xi32>
      %gather3A = tpu.vector_load_idx %arg9[%broadcast_in_dim3A_484, %broadcast_in_dim3A_509, %iota3A, %broadcast_in_dim3A_504] : memref<2x4x32x128xf32, #tpu.memory_space<vmem>>[vector<16xi32>, vector<16xi32>, vector<16xi32>, vector<16xi32>], vector<16xf32>,
      %add3A_510 = arith.constant 16 : i32
      %add3A_511 = vector.broadcast %add3A_510 : i32 to vector<16xi32>
      %add3A_512 = arith.addi %iota3A, %add3A_511 : vector<16xi32>
      %gather3A_513 = tpu.vector_load_idx %arg9[%broadcast_in_dim3A_484, %broadcast_in_dim3A_509, %add3A_512, %broadcast_in_dim3A_504] : memref<2x4x32x128xf32, #tpu.memory_space<vmem>>[vector<16xi32>, vector<16xi32>, vector<16xi32>, vector<16xi32>], vector<16xf32>,
      %gather3A_514 = tpu.vector_load_idx %arg10[%broadcast_in_dim3A_484, %broadcast_in_dim3A_509, %iota3A, %broadcast_in_dim3A_507] : memref<2x4x32x128xf32, #tpu.memory_space<vmem>>[vector<16xi32>, vector<16xi32>, vector<16xi32>, vector<16xi32>], vector<16xf32>,
      %add3A_515 = arith.constant 16 : i32
      %add3A_516 = vector.broadcast %add3A_515 : i32 to vector<16xi32>
      %add3A_517 = arith.addi %iota3A, %add3A_516 : vector<16xi32>
      %gather3A_518 = tpu.vector_load_idx %arg10[%broadcast_in_dim3A_484, %broadcast_in_dim3A_509, %add3A_517, %broadcast_in_dim3A_507] : memref<2x4x32x128xf32, #tpu.memory_space<vmem>>[vector<16xi32>, vector<16xi32>, vector<16xi32>, vector<16xi32>], vector<16xf32>,
      %mul3A_519 = arith.mulf %gather3A, %gather3A_514 : vector<16xf32>
      %mul3A_520 = arith.mulf %gather3A_513, %gather3A_518 : vector<16xf32>
      %add3A_521 = arith.addf %mul3A_519, %mul3A_520 : vector<16xf32>
      %reduce_sum3A = arith.constant true
      %reduce_sum3A_522 = vector.broadcast %reduce_sum3A : i1 to vector<16xi1>
      %reduce_sum3A_523 = tpu.scan <sum>, %add3A_521 masked %reduce_sum3A_522 : vector<16xf32>, vector<16xi1> -> vector<16xf32>
      %reduce_sum3A_524 = vector.extract %reduce_sum3A_523[15] : f32 from vector<16xf32>
      %rem3A = arith.constant 16 : i32
      %rem3A_525 = arith.remsi %add3A_501, %rem3A : i32
      %eq3A = vector.broadcast %rem3A_525 : i32 to vector<16xi32>
      %eq3A_526 = arith.cmpi eq, %iota3A, %eq3A : vector<16xi32>
      %broadcast_in_dim3A_527 = vector.broadcast %reduce_sum3A_524 : f32 to vector<16xf32>
      %select_n3A = arith.select %eq3A_526, %broadcast_in_dim3A_527, %scan3A_175 : vector<16xi1>, vector<16xf32>
      %mul3A_528 = arith.constant 4 : i32
      %mul3A_529 = arith.muli %mul3A_177, %mul3A_528 : i32
      %add3A_530 = arith.constant 1 : i32
      %add3A_531 = arith.addi %mul3A_529, %add3A_530 : i32
      %slice3A_532 = vector.extract_strided_slice %and3A_490 {offsets = [1], sizes = [1], strides = [1]} : vector<16xi32> to vector<1xi32>
      %squeeze3A_533 = vector.extract %slice3A_532[0] : i32 from vector<1xi32>
      %broadcast_in_dim3A_534 = vector.broadcast %squeeze3A_533 : i32 to vector<16xi32>
      %slice3A_535 = vector.extract_strided_slice %and3A_497 {offsets = [1], sizes = [1], strides = [1]} : vector<16xi32> to vector<1xi32>
      %squeeze3A_536 = vector.extract %slice3A_535[0] : i32 from vector<1xi32>
      %broadcast_in_dim3A_537 = vector.broadcast %squeeze3A_536 : i32 to vector<16xi32>
      %broadcast_in_dim3A_538 = arith.constant 1 : i32
      %broadcast_in_dim3A_539 = vector.broadcast %broadcast_in_dim3A_538 : i32 to vector<16xi32>
      %gather3A_540 = tpu.vector_load_idx %arg9[%broadcast_in_dim3A_484, %broadcast_in_dim3A_539, %iota3A, %broadcast_in_dim3A_534] : memref<2x4x32x128xf32, #tpu.memory_space<vmem>>[vector<16xi32>, vector<16xi32>, vector<16xi32>, vector<16xi32>], vector<16xf32>,
      %add3A_541 = arith.constant 16 : i32
      %add3A_542 = vector.broadcast %add3A_541 : i32 to vector<16xi32>
      %add3A_543 = arith.addi %iota3A, %add3A_542 : vector<16xi32>
      %gather3A_544 = tpu.vector_load_idx %arg9[%broadcast_in_dim3A_484, %broadcast_in_dim3A_539, %add3A_543, %broadcast_in_dim3A_534] : memref<2x4x32x128xf32, #tpu.memory_space<vmem>>[vector<16xi32>, vector<16xi32>, vector<16xi32>, vector<16xi32>], vector<16xf32>,
      %gather3A_545 = tpu.vector_load_idx %arg10[%broadcast_in_dim3A_484, %broadcast_in_dim3A_539, %iota3A, %broadcast_in_dim3A_537] : memref<2x4x32x128xf32, #tpu.memory_space<vmem>>[vector<16xi32>, vector<16xi32>, vector<16xi32>, vector<16xi32>], vector<16xf32>,
      %add3A_546 = arith.constant 16 : i32
      %add3A_547 = vector.broadcast %add3A_546 : i32 to vector<16xi32>
      %add3A_548 = arith.addi %iota3A, %add3A_547 : vector<16xi32>
      %gather3A_549 = tpu.vector_load_idx %arg10[%broadcast_in_dim3A_484, %broadcast_in_dim3A_539, %add3A_548, %broadcast_in_dim3A_537] : memref<2x4x32x128xf32, #tpu.memory_space<vmem>>[vector<16xi32>, vector<16xi32>, vector<16xi32>, vector<16xi32>], vector<16xf32>,
      %mul3A_550 = arith.mulf %gather3A_540, %gather3A_545 : vector<16xf32>
      %mul3A_551 = arith.mulf %gather3A_544, %gather3A_549 : vector<16xf32>
      %add3A_552 = arith.addf %mul3A_550, %mul3A_551 : vector<16xf32>
      %reduce_sum3A_553 = arith.constant true
      %reduce_sum3A_554 = vector.broadcast %reduce_sum3A_553 : i1 to vector<16xi1>
      %reduce_sum3A_555 = tpu.scan <sum>, %add3A_552 masked %reduce_sum3A_554 : vector<16xf32>, vector<16xi1> -> vector<16xf32>
      %reduce_sum3A_556 = vector.extract %reduce_sum3A_555[15] : f32 from vector<16xf32>
      %rem3A_557 = arith.constant 16 : i32
      %rem3A_558 = arith.remsi %add3A_531, %rem3A_557 : i32
      %eq3A_559 = vector.broadcast %rem3A_558 : i32 to vector<16xi32>
      %eq3A_560 = arith.cmpi eq, %iota3A, %eq3A_559 : vector<16xi32>
      %broadcast_in_dim3A_561 = vector.broadcast %reduce_sum3A_556 : f32 to vector<16xf32>
      %select_n3A_562 = arith.select %eq3A_560, %broadcast_in_dim3A_561, %select_n3A : vector<16xi1>, vector<16xf32>
      %mul3A_563 = arith.constant 4 : i32
      %mul3A_564 = arith.muli %mul3A_177, %mul3A_563 : i32
      %add3A_565 = arith.constant 2 : i32
      %add3A_566 = arith.addi %mul3A_564, %add3A_565 : i32
      %slice3A_567 = vector.extract_strided_slice %and3A_490 {offsets = [2], sizes = [1], strides = [1]} : vector<16xi32> to vector<1xi32>
      %squeeze3A_568 = vector.extract %slice3A_567[0] : i32 from vector<1xi32>
      %broadcast_in_dim3A_569 = vector.broadcast %squeeze3A_568 : i32 to vector<16xi32>
      %slice3A_570 = vector.extract_strided_slice %and3A_497 {offsets = [2], sizes = [1], strides = [1]} : vector<16xi32> to vector<1xi32>
      %squeeze3A_571 = vector.extract %slice3A_570[0] : i32 from vector<1xi32>
      %broadcast_in_dim3A_572 = vector.broadcast %squeeze3A_571 : i32 to vector<16xi32>
      %broadcast_in_dim3A_573 = arith.constant 2 : i32
      %broadcast_in_dim3A_574 = vector.broadcast %broadcast_in_dim3A_573 : i32 to vector<16xi32>
      %gather3A_575 = tpu.vector_load_idx %arg9[%broadcast_in_dim3A_484, %broadcast_in_dim3A_574, %iota3A, %broadcast_in_dim3A_569] : memref<2x4x32x128xf32, #tpu.memory_space<vmem>>[vector<16xi32>, vector<16xi32>, vector<16xi32>, vector<16xi32>], vector<16xf32>,
      %add3A_576 = arith.constant 16 : i32
      %add3A_577 = vector.broadcast %add3A_576 : i32 to vector<16xi32>
      %add3A_578 = arith.addi %iota3A, %add3A_577 : vector<16xi32>
      %gather3A_579 = tpu.vector_load_idx %arg9[%broadcast_in_dim3A_484, %broadcast_in_dim3A_574, %add3A_578, %broadcast_in_dim3A_569] : memref<2x4x32x128xf32, #tpu.memory_space<vmem>>[vector<16xi32>, vector<16xi32>, vector<16xi32>, vector<16xi32>], vector<16xf32>,
      %gather3A_580 = tpu.vector_load_idx %arg10[%broadcast_in_dim3A_484, %broadcast_in_dim3A_574, %iota3A, %broadcast_in_dim3A_572] : memref<2x4x32x128xf32, #tpu.memory_space<vmem>>[vector<16xi32>, vector<16xi32>, vector<16xi32>, vector<16xi32>], vector<16xf32>,
      %add3A_581 = arith.constant 16 : i32
      %add3A_582 = vector.broadcast %add3A_581 : i32 to vector<16xi32>
      %add3A_583 = arith.addi %iota3A, %add3A_582 : vector<16xi32>
      %gather3A_584 = tpu.vector_load_idx %arg10[%broadcast_in_dim3A_484, %broadcast_in_dim3A_574, %add3A_583, %broadcast_in_dim3A_572] : memref<2x4x32x128xf32, #tpu.memory_space<vmem>>[vector<16xi32>, vector<16xi32>, vector<16xi32>, vector<16xi32>], vector<16xf32>,
      %mul3A_585 = arith.mulf %gather3A_575, %gather3A_580 : vector<16xf32>
      %mul3A_586 = arith.mulf %gather3A_579, %gather3A_584 : vector<16xf32>
      %add3A_587 = arith.addf %mul3A_585, %mul3A_586 : vector<16xf32>
      %reduce_sum3A_588 = arith.constant true
      %reduce_sum3A_589 = vector.broadcast %reduce_sum3A_588 : i1 to vector<16xi1>
      %reduce_sum3A_590 = tpu.scan <sum>, %add3A_587 masked %reduce_sum3A_589 : vector<16xf32>, vector<16xi1> -> vector<16xf32>
      %reduce_sum3A_591 = vector.extract %reduce_sum3A_590[15] : f32 from vector<16xf32>
      %rem3A_592 = arith.constant 16 : i32
      %rem3A_593 = arith.remsi %add3A_566, %rem3A_592 : i32
      %eq3A_594 = vector.broadcast %rem3A_593 : i32 to vector<16xi32>
      %eq3A_595 = arith.cmpi eq, %iota3A, %eq3A_594 : vector<16xi32>
      %broadcast_in_dim3A_596 = vector.broadcast %reduce_sum3A_591 : f32 to vector<16xf32>
      %select_n3A_597 = arith.select %eq3A_595, %broadcast_in_dim3A_596, %select_n3A_562 : vector<16xi1>, vector<16xf32>
      %mul3A_598 = arith.constant 4 : i32
      %mul3A_599 = arith.muli %mul3A_177, %mul3A_598 : i32
      %add3A_600 = arith.constant 3 : i32
      %add3A_601 = arith.addi %mul3A_599, %add3A_600 : i32
      %slice3A_602 = vector.extract_strided_slice %and3A_490 {offsets = [3], sizes = [1], strides = [1]} : vector<16xi32> to vector<1xi32>
      %squeeze3A_603 = vector.extract %slice3A_602[0] : i32 from vector<1xi32>
      %broadcast_in_dim3A_604 = vector.broadcast %squeeze3A_603 : i32 to vector<16xi32>
      %slice3A_605 = vector.extract_strided_slice %and3A_497 {offsets = [3], sizes = [1], strides = [1]} : vector<16xi32> to vector<1xi32>
      %squeeze3A_606 = vector.extract %slice3A_605[0] : i32 from vector<1xi32>
      %broadcast_in_dim3A_607 = vector.broadcast %squeeze3A_606 : i32 to vector<16xi32>
      %broadcast_in_dim3A_608 = arith.constant 3 : i32
      %broadcast_in_dim3A_609 = vector.broadcast %broadcast_in_dim3A_608 : i32 to vector<16xi32>
      %gather3A_610 = tpu.vector_load_idx %arg9[%broadcast_in_dim3A_484, %broadcast_in_dim3A_609, %iota3A, %broadcast_in_dim3A_604] : memref<2x4x32x128xf32, #tpu.memory_space<vmem>>[vector<16xi32>, vector<16xi32>, vector<16xi32>, vector<16xi32>], vector<16xf32>,
      %add3A_611 = arith.constant 16 : i32
      %add3A_612 = vector.broadcast %add3A_611 : i32 to vector<16xi32>
      %add3A_613 = arith.addi %iota3A, %add3A_612 : vector<16xi32>
      %gather3A_614 = tpu.vector_load_idx %arg9[%broadcast_in_dim3A_484, %broadcast_in_dim3A_609, %add3A_613, %broadcast_in_dim3A_604] : memref<2x4x32x128xf32, #tpu.memory_space<vmem>>[vector<16xi32>, vector<16xi32>, vector<16xi32>, vector<16xi32>], vector<16xf32>,
      %gather3A_615 = tpu.vector_load_idx %arg10[%broadcast_in_dim3A_484, %broadcast_in_dim3A_609, %iota3A, %broadcast_in_dim3A_607] : memref<2x4x32x128xf32, #tpu.memory_space<vmem>>[vector<16xi32>, vector<16xi32>, vector<16xi32>, vector<16xi32>], vector<16xf32>,
      %add3A_616 = arith.constant 16 : i32
      %add3A_617 = vector.broadcast %add3A_616 : i32 to vector<16xi32>
      %add3A_618 = arith.addi %iota3A, %add3A_617 : vector<16xi32>
      %gather3A_619 = tpu.vector_load_idx %arg10[%broadcast_in_dim3A_484, %broadcast_in_dim3A_609, %add3A_618, %broadcast_in_dim3A_607] : memref<2x4x32x128xf32, #tpu.memory_space<vmem>>[vector<16xi32>, vector<16xi32>, vector<16xi32>, vector<16xi32>], vector<16xf32>,
      %mul3A_620 = arith.mulf %gather3A_610, %gather3A_615 : vector<16xf32>
      %mul3A_621 = arith.mulf %gather3A_614, %gather3A_619 : vector<16xf32>
      %add3A_622 = arith.addf %mul3A_620, %mul3A_621 : vector<16xf32>
      %reduce_sum3A_623 = arith.constant true
      %reduce_sum3A_624 = vector.broadcast %reduce_sum3A_623 : i1 to vector<16xi1>
      %reduce_sum3A_625 = tpu.scan <sum>, %add3A_622 masked %reduce_sum3A_624 : vector<16xf32>, vector<16xi1> -> vector<16xf32>
      %reduce_sum3A_626 = vector.extract %reduce_sum3A_625[15] : f32 from vector<16xf32>
      %rem3A_627 = arith.constant 16 : i32
      %rem3A_628 = arith.remsi %add3A_601, %rem3A_627 : i32
      %eq3A_629 = vector.broadcast %rem3A_628 : i32 to vector<16xi32>
      %eq3A_630 = arith.cmpi eq, %iota3A, %eq3A_629 : vector<16xi32>
      %broadcast_in_dim3A_631 = vector.broadcast %reduce_sum3A_626 : f32 to vector<16xf32>
      %select_n3A_632 = arith.select %eq3A_630, %broadcast_in_dim3A_631, %select_n3A_597 : vector<16xi1>, vector<16xf32>
      %lt3A = arith.constant 63 : i32
      %lt3A_633 = arith.cmpi slt, %scan3A_174, %lt3A : i32
      %convert_element_type3A = arith.extui %lt3A_633 : i1 to i32
      %cond3A = arith.constant 0 : i32
      %cond3A_634 = arith.cmpi ne, %convert_element_type3A, %cond3A : i32
      scf.if %cond3A_634 {
        %add3A_935 = arith.constant 2 : i32
        %add3A_936 = arith.addi %mul3A_177, %add3A_935 : i32
        %mul3A_937 = arith.constant 4 : i32
        %mul3A_938 = arith.muli %add3A_936, %mul3A_937 : i32
        %get3A_939 = arith.index_cast %mul3A_938 : i32 to index
        %get3A_940 = tpu.vector_load %arg7[%get3A_939] {strides = array<i32>} : memref<528xi32, #tpu.memory_space<vmem>>, vector<16xi32>,
        %mul3A_941 = arith.constant 4 : i32
        %mul3A_942 = arith.muli %add3A_936, %mul3A_941 : i32
        %get3A_943 = arith.index_cast %mul3A_942 : i32 to index
        %get3A_944 = tpu.vector_load %arg8[%get3A_943] {strides = array<i32>} : memref<528xi32, #tpu.memory_space<vmem>>, vector<16xi32>,
        %slice3A_945 = vector.extract_strided_slice %get3A_940 {offsets = [0], sizes = [1], strides = [1]} : vector<16xi32> to vector<1xi32>
        %squeeze3A_946 = vector.extract %slice3A_945[0] : i32 from vector<1xi32>
        %slice3A_947 = vector.extract_strided_slice %get3A_944 {offsets = [0], sizes = [1], strides = [1]} : vector<16xi32> to vector<1xi32>
        %squeeze3A_948 = vector.extract %slice3A_947[0] : i32 from vector<1xi32>
        %shift_right_arithmetic3A_949 = arith.constant 7 : i32
        %shift_right_arithmetic3A_950 = arith.shrsi %squeeze3A_946, %shift_right_arithmetic3A_949 : i32
        %shift_left3A_951 = arith.constant 7 : i32
        %shift_left3A_952 = arith.shli %shift_right_arithmetic3A_950, %shift_left3A_951 : i32
        %multiple_of3A_953 = tpu.assume_multiple %shift_left3A_952, 128 : i32
        %shift_right_arithmetic3A_954 = arith.constant 7 : i32
        %shift_right_arithmetic3A_955 = arith.shrsi %squeeze3A_948, %shift_right_arithmetic3A_954 : i32
        %shift_left3A_956 = arith.constant 7 : i32
        %shift_left3A_957 = arith.shli %shift_right_arithmetic3A_955, %shift_left3A_956 : i32
        %multiple_of3A_958 = tpu.assume_multiple %shift_left3A_957, 128 : i32
        %dma_start3A_959 = arith.constant 0 : i32
        %dma_start3A_960 = arith.constant 0 : i32
        %dma_start3A_961 = arith.constant 0 : i32
        %dma_start3A_962 = arith.constant 0 : i32
        %dma_start3A_963 = tpu.memref_slice %arg9[%dma_start3A_959, %dma_start3A_960, %dma_start3A_961, %dma_start3A_962] : memref<2x4x32x128xf32, #tpu.memory_space<vmem>> -> memref<1x1x32x128xf32, #tpu.memory_space<vmem>>
        %dma_start3A_964 = tpu.memref_squeeze %dma_start3A_963 : memref<1x1x32x128xf32, #tpu.memory_space<vmem>> -> memref<32x128xf32, #tpu.memory_space<vmem>>
        %dma_start3A_965 = arith.constant 0 : i32
        %dma_start3A_966 = tpu.memref_slice %arg4[%dma_start3A_965, %multiple_of3A_953] : memref<32x1000000xf32, #tpu.memory_space<hbm>> -> memref<32x128xf32, #tpu.memory_space<hbm>>
        %dma_start3A_967 = arith.constant 0 : i32
        %dma_start3A_968 = arith.constant 0 : i32
        %dma_start3A_969 = tpu.memref_slice %arg9[%dma_start3A_959, %dma_start3A_960, %dma_start3A_967, %dma_start3A_968] : memref<2x4x32x128xf32, #tpu.memory_space<vmem>> -> memref<1x1x32x128xf32, #tpu.memory_space<vmem>>
        %dma_start3A_970 = tpu.memref_squeeze %dma_start3A_969 : memref<1x1x32x128xf32, #tpu.memory_space<vmem>> -> memref<32x128xf32, #tpu.memory_space<vmem>>
        %dma_start3A_971 = arith.constant 0 : i32
        %dma_start3A_972 = tpu.memref_slice %arg4[%dma_start3A_971, %multiple_of3A_953] : memref<32x1000000xf32, #tpu.memory_space<hbm>> -> memref<32x128xf32, #tpu.memory_space<hbm>>
        tpu.enqueue_dma source(%dma_start3A_972 : memref<32x128xf32, #tpu.memory_space<hbm>>) target(%dma_start3A_970 : memref<32x128xf32, #tpu.memory_space<vmem>>) target_semaphore(%arg12 : memref<!tpu.dma_semaphore, #tpu.memory_space<semaphore_mem>>)
        %dma_start3A_973 = arith.constant 0 : i32
        %dma_start3A_974 = arith.constant 0 : i32
        %dma_start3A_975 = arith.constant 0 : i32
        %dma_start3A_976 = arith.constant 0 : i32
        %dma_start3A_977 = tpu.memref_slice %arg10[%dma_start3A_973, %dma_start3A_974, %dma_start3A_975, %dma_start3A_976] : memref<2x4x32x128xf32, #tpu.memory_space<vmem>> -> memref<1x1x32x128xf32, #tpu.memory_space<vmem>>
        %dma_start3A_978 = tpu.memref_squeeze %dma_start3A_977 : memref<1x1x32x128xf32, #tpu.memory_space<vmem>> -> memref<32x128xf32, #tpu.memory_space<vmem>>
        %dma_start3A_979 = arith.constant 0 : i32
        %dma_start3A_980 = tpu.memref_slice %arg5[%dma_start3A_979, %multiple_of3A_958] : memref<32x1000000xf32, #tpu.memory_space<hbm>> -> memref<32x128xf32, #tpu.memory_space<hbm>>
        %dma_start3A_981 = arith.constant 0 : i32
        %dma_start3A_982 = arith.constant 0 : i32
        %dma_start3A_983 = tpu.memref_slice %arg10[%dma_start3A_973, %dma_start3A_974, %dma_start3A_981, %dma_start3A_982] : memref<2x4x32x128xf32, #tpu.memory_space<vmem>> -> memref<1x1x32x128xf32, #tpu.memory_space<vmem>>
        %dma_start3A_984 = tpu.memref_squeeze %dma_start3A_983 : memref<1x1x32x128xf32, #tpu.memory_space<vmem>> -> memref<32x128xf32, #tpu.memory_space<vmem>>
        %dma_start3A_985 = arith.constant 0 : i32
        %dma_start3A_986 = tpu.memref_slice %arg5[%dma_start3A_985, %multiple_of3A_958] : memref<32x1000000xf32, #tpu.memory_space<hbm>> -> memref<32x128xf32, #tpu.memory_space<hbm>>
        tpu.enqueue_dma source(%dma_start3A_986 : memref<32x128xf32, #tpu.memory_space<hbm>>) target(%dma_start3A_984 : memref<32x128xf32, #tpu.memory_space<vmem>>) target_semaphore(%arg12 : memref<!tpu.dma_semaphore, #tpu.memory_space<semaphore_mem>>)
        %slice3A_987 = vector.extract_strided_slice %get3A_940 {offsets = [1], sizes = [1], strides = [1]} : vector<16xi32> to vector<1xi32>
        %squeeze3A_988 = vector.extract %slice3A_987[0] : i32 from vector<1xi32>
        %slice3A_989 = vector.extract_strided_slice %get3A_944 {offsets = [1], sizes = [1], strides = [1]} : vector<16xi32> to vector<1xi32>
        %squeeze3A_990 = vector.extract %slice3A_989[0] : i32 from vector<1xi32>
        %shift_right_arithmetic3A_991 = arith.constant 7 : i32
        %shift_right_arithmetic3A_992 = arith.shrsi %squeeze3A_988, %shift_right_arithmetic3A_991 : i32
        %shift_left3A_993 = arith.constant 7 : i32
        %shift_left3A_994 = arith.shli %shift_right_arithmetic3A_992, %shift_left3A_993 : i32
        %multiple_of3A_995 = tpu.assume_multiple %shift_left3A_994, 128 : i32
        %shift_right_arithmetic3A_996 = arith.constant 7 : i32
        %shift_right_arithmetic3A_997 = arith.shrsi %squeeze3A_990, %shift_right_arithmetic3A_996 : i32
        %shift_left3A_998 = arith.constant 7 : i32
        %shift_left3A_999 = arith.shli %shift_right_arithmetic3A_997, %shift_left3A_998 : i32
        %multiple_of3A_1000 = tpu.assume_multiple %shift_left3A_999, 128 : i32
        %dma_start3A_1001 = arith.constant 0 : i32
        %dma_start3A_1002 = arith.constant 1 : i32
        %dma_start3A_1003 = arith.constant 0 : i32
        %dma_start3A_1004 = arith.constant 0 : i32
        %dma_start3A_1005 = tpu.memref_slice %arg9[%dma_start3A_1001, %dma_start3A_1002, %dma_start3A_1003, %dma_start3A_1004] : memref<2x4x32x128xf32, #tpu.memory_space<vmem>> -> memref<1x1x32x128xf32, #tpu.memory_space<vmem>>
        %dma_start3A_1006 = tpu.memref_squeeze %dma_start3A_1005 : memref<1x1x32x128xf32, #tpu.memory_space<vmem>> -> memref<32x128xf32, #tpu.memory_space<vmem>>
        %dma_start3A_1007 = arith.constant 0 : i32
        %dma_start3A_1008 = tpu.memref_slice %arg4[%dma_start3A_1007, %multiple_of3A_995] : memref<32x1000000xf32, #tpu.memory_space<hbm>> -> memref<32x128xf32, #tpu.memory_space<hbm>>
        %dma_start3A_1009 = arith.constant 0 : i32
        %dma_start3A_1010 = arith.constant 0 : i32
        %dma_start3A_1011 = tpu.memref_slice %arg9[%dma_start3A_1001, %dma_start3A_1002, %dma_start3A_1009, %dma_start3A_1010] : memref<2x4x32x128xf32, #tpu.memory_space<vmem>> -> memref<1x1x32x128xf32, #tpu.memory_space<vmem>>
        %dma_start3A_1012 = tpu.memref_squeeze %dma_start3A_1011 : memref<1x1x32x128xf32, #tpu.memory_space<vmem>> -> memref<32x128xf32, #tpu.memory_space<vmem>>
        %dma_start3A_1013 = arith.constant 0 : i32
        %dma_start3A_1014 = tpu.memref_slice %arg4[%dma_start3A_1013, %multiple_of3A_995] : memref<32x1000000xf32, #tpu.memory_space<hbm>> -> memref<32x128xf32, #tpu.memory_space<hbm>>
        tpu.enqueue_dma source(%dma_start3A_1014 : memref<32x128xf32, #tpu.memory_space<hbm>>) target(%dma_start3A_1012 : memref<32x128xf32, #tpu.memory_space<vmem>>) target_semaphore(%arg12 : memref<!tpu.dma_semaphore, #tpu.memory_space<semaphore_mem>>)
        %dma_start3A_1015 = arith.constant 0 : i32
        %dma_start3A_1016 = arith.constant 1 : i32
        %dma_start3A_1017 = arith.constant 0 : i32
        %dma_start3A_1018 = arith.constant 0 : i32
        %dma_start3A_1019 = tpu.memref_slice %arg10[%dma_start3A_1015, %dma_start3A_1016, %dma_start3A_1017, %dma_start3A_1018] : memref<2x4x32x128xf32, #tpu.memory_space<vmem>> -> memref<1x1x32x128xf32, #tpu.memory_space<vmem>>
        %dma_start3A_1020 = tpu.memref_squeeze %dma_start3A_1019 : memref<1x1x32x128xf32, #tpu.memory_space<vmem>> -> memref<32x128xf32, #tpu.memory_space<vmem>>
        %dma_start3A_1021 = arith.constant 0 : i32
        %dma_start3A_1022 = tpu.memref_slice %arg5[%dma_start3A_1021, %multiple_of3A_1000] : memref<32x1000000xf32, #tpu.memory_space<hbm>> -> memref<32x128xf32, #tpu.memory_space<hbm>>
        %dma_start3A_1023 = arith.constant 0 : i32
        %dma_start3A_1024 = arith.constant 0 : i32
        %dma_start3A_1025 = tpu.memref_slice %arg10[%dma_start3A_1015, %dma_start3A_1016, %dma_start3A_1023, %dma_start3A_1024] : memref<2x4x32x128xf32, #tpu.memory_space<vmem>> -> memref<1x1x32x128xf32, #tpu.memory_space<vmem>>
        %dma_start3A_1026 = tpu.memref_squeeze %dma_start3A_1025 : memref<1x1x32x128xf32, #tpu.memory_space<vmem>> -> memref<32x128xf32, #tpu.memory_space<vmem>>
        %dma_start3A_1027 = arith.constant 0 : i32
        %dma_start3A_1028 = tpu.memref_slice %arg5[%dma_start3A_1027, %multiple_of3A_1000] : memref<32x1000000xf32, #tpu.memory_space<hbm>> -> memref<32x128xf32, #tpu.memory_space<hbm>>
        tpu.enqueue_dma source(%dma_start3A_1028 : memref<32x128xf32, #tpu.memory_space<hbm>>) target(%dma_start3A_1026 : memref<32x128xf32, #tpu.memory_space<vmem>>) target_semaphore(%arg12 : memref<!tpu.dma_semaphore, #tpu.memory_space<semaphore_mem>>)
        %slice3A_1029 = vector.extract_strided_slice %get3A_940 {offsets = [2], sizes = [1], strides = [1]} : vector<16xi32> to vector<1xi32>
        %squeeze3A_1030 = vector.extract %slice3A_1029[0] : i32 from vector<1xi32>
        %slice3A_1031 = vector.extract_strided_slice %get3A_944 {offsets = [2], sizes = [1], strides = [1]} : vector<16xi32> to vector<1xi32>
        %squeeze3A_1032 = vector.extract %slice3A_1031[0] : i32 from vector<1xi32>
        %shift_right_arithmetic3A_1033 = arith.constant 7 : i32
        %shift_right_arithmetic3A_1034 = arith.shrsi %squeeze3A_1030, %shift_right_arithmetic3A_1033 : i32
        %shift_left3A_1035 = arith.constant 7 : i32
        %shift_left3A_1036 = arith.shli %shift_right_arithmetic3A_1034, %shift_left3A_1035 : i32
        %multiple_of3A_1037 = tpu.assume_multiple %shift_left3A_1036, 128 : i32
        %shift_right_arithmetic3A_1038 = arith.constant 7 : i32
        %shift_right_arithmetic3A_1039 = arith.shrsi %squeeze3A_1032, %shift_right_arithmetic3A_1038 : i32
        %shift_left3A_1040 = arith.constant 7 : i32
        %shift_left3A_1041 = arith.shli %shift_right_arithmetic3A_1039, %shift_left3A_1040 : i32
        %multiple_of3A_1042 = tpu.assume_multiple %shift_left3A_1041, 128 : i32
        %dma_start3A_1043 = arith.constant 0 : i32
        %dma_start3A_1044 = arith.constant 2 : i32
        %dma_start3A_1045 = arith.constant 0 : i32
        %dma_start3A_1046 = arith.constant 0 : i32
        %dma_start3A_1047 = tpu.memref_slice %arg9[%dma_start3A_1043, %dma_start3A_1044, %dma_start3A_1045, %dma_start3A_1046] : memref<2x4x32x128xf32, #tpu.memory_space<vmem>> -> memref<1x1x32x128xf32, #tpu.memory_space<vmem>>
        %dma_start3A_1048 = tpu.memref_squeeze %dma_start3A_1047 : memref<1x1x32x128xf32, #tpu.memory_space<vmem>> -> memref<32x128xf32, #tpu.memory_space<vmem>>
        %dma_start3A_1049 = arith.constant 0 : i32
        %dma_start3A_1050 = tpu.memref_slice %arg4[%dma_start3A_1049, %multiple_of3A_1037] : memref<32x1000000xf32, #tpu.memory_space<hbm>> -> memref<32x128xf32, #tpu.memory_space<hbm>>
        %dma_start3A_1051 = arith.constant 0 : i32
        %dma_start3A_1052 = arith.constant 0 : i32
        %dma_start3A_1053 = tpu.memref_slice %arg9[%dma_start3A_1043, %dma_start3A_1044, %dma_start3A_1051, %dma_start3A_1052] : memref<2x4x32x128xf32, #tpu.memory_space<vmem>> -> memref<1x1x32x128xf32, #tpu.memory_space<vmem>>
        %dma_start3A_1054 = tpu.memref_squeeze %dma_start3A_1053 : memref<1x1x32x128xf32, #tpu.memory_space<vmem>> -> memref<32x128xf32, #tpu.memory_space<vmem>>
        %dma_start3A_1055 = arith.constant 0 : i32
        %dma_start3A_1056 = tpu.memref_slice %arg4[%dma_start3A_1055, %multiple_of3A_1037] : memref<32x1000000xf32, #tpu.memory_space<hbm>> -> memref<32x128xf32, #tpu.memory_space<hbm>>
        tpu.enqueue_dma source(%dma_start3A_1056 : memref<32x128xf32, #tpu.memory_space<hbm>>) target(%dma_start3A_1054 : memref<32x128xf32, #tpu.memory_space<vmem>>) target_semaphore(%arg12 : memref<!tpu.dma_semaphore, #tpu.memory_space<semaphore_mem>>)
        %dma_start3A_1057 = arith.constant 0 : i32
        %dma_start3A_1058 = arith.constant 2 : i32
        %dma_start3A_1059 = arith.constant 0 : i32
        %dma_start3A_1060 = arith.constant 0 : i32
        %dma_start3A_1061 = tpu.memref_slice %arg10[%dma_start3A_1057, %dma_start3A_1058, %dma_start3A_1059, %dma_start3A_1060] : memref<2x4x32x128xf32, #tpu.memory_space<vmem>> -> memref<1x1x32x128xf32, #tpu.memory_space<vmem>>
        %dma_start3A_1062 = tpu.memref_squeeze %dma_start3A_1061 : memref<1x1x32x128xf32, #tpu.memory_space<vmem>> -> memref<32x128xf32, #tpu.memory_space<vmem>>
        %dma_start3A_1063 = arith.constant 0 : i32
        %dma_start3A_1064 = tpu.memref_slice %arg5[%dma_start3A_1063, %multiple_of3A_1042] : memref<32x1000000xf32, #tpu.memory_space<hbm>> -> memref<32x128xf32, #tpu.memory_space<hbm>>
        %dma_start3A_1065 = arith.constant 0 : i32
        %dma_start3A_1066 = arith.constant 0 : i32
        %dma_start3A_1067 = tpu.memref_slice %arg10[%dma_start3A_1057, %dma_start3A_1058, %dma_start3A_1065, %dma_start3A_1066] : memref<2x4x32x128xf32, #tpu.memory_space<vmem>> -> memref<1x1x32x128xf32, #tpu.memory_space<vmem>>
        %dma_start3A_1068 = tpu.memref_squeeze %dma_start3A_1067 : memref<1x1x32x128xf32, #tpu.memory_space<vmem>> -> memref<32x128xf32, #tpu.memory_space<vmem>>
        %dma_start3A_1069 = arith.constant 0 : i32
        %dma_start3A_1070 = tpu.memref_slice %arg5[%dma_start3A_1069, %multiple_of3A_1042] : memref<32x1000000xf32, #tpu.memory_space<hbm>> -> memref<32x128xf32, #tpu.memory_space<hbm>>
        tpu.enqueue_dma source(%dma_start3A_1070 : memref<32x128xf32, #tpu.memory_space<hbm>>) target(%dma_start3A_1068 : memref<32x128xf32, #tpu.memory_space<vmem>>) target_semaphore(%arg12 : memref<!tpu.dma_semaphore, #tpu.memory_space<semaphore_mem>>)
        %slice3A_1071 = vector.extract_strided_slice %get3A_940 {offsets = [3], sizes = [1], strides = [1]} : vector<16xi32> to vector<1xi32>
        %squeeze3A_1072 = vector.extract %slice3A_1071[0] : i32 from vector<1xi32>
        %slice3A_1073 = vector.extract_strided_slice %get3A_944 {offsets = [3], sizes = [1], strides = [1]} : vector<16xi32> to vector<1xi32>
        %squeeze3A_1074 = vector.extract %slice3A_1073[0] : i32 from vector<1xi32>
        %shift_right_arithmetic3A_1075 = arith.constant 7 : i32
        %shift_right_arithmetic3A_1076 = arith.shrsi %squeeze3A_1072, %shift_right_arithmetic3A_1075 : i32
        %shift_left3A_1077 = arith.constant 7 : i32
        %shift_left3A_1078 = arith.shli %shift_right_arithmetic3A_1076, %shift_left3A_1077 : i32
        %multiple_of3A_1079 = tpu.assume_multiple %shift_left3A_1078, 128 : i32
        %shift_right_arithmetic3A_1080 = arith.constant 7 : i32
        %shift_right_arithmetic3A_1081 = arith.shrsi %squeeze3A_1074, %shift_right_arithmetic3A_1080 : i32
        %shift_left3A_1082 = arith.constant 7 : i32
        %shift_left3A_1083 = arith.shli %shift_right_arithmetic3A_1081, %shift_left3A_1082 : i32
        %multiple_of3A_1084 = tpu.assume_multiple %shift_left3A_1083, 128 : i32
        %dma_start3A_1085 = arith.constant 0 : i32
        %dma_start3A_1086 = arith.constant 3 : i32
        %dma_start3A_1087 = arith.constant 0 : i32
        %dma_start3A_1088 = arith.constant 0 : i32
        %dma_start3A_1089 = tpu.memref_slice %arg9[%dma_start3A_1085, %dma_start3A_1086, %dma_start3A_1087, %dma_start3A_1088] : memref<2x4x32x128xf32, #tpu.memory_space<vmem>> -> memref<1x1x32x128xf32, #tpu.memory_space<vmem>>
        %dma_start3A_1090 = tpu.memref_squeeze %dma_start3A_1089 : memref<1x1x32x128xf32, #tpu.memory_space<vmem>> -> memref<32x128xf32, #tpu.memory_space<vmem>>
        %dma_start3A_1091 = arith.constant 0 : i32
        %dma_start3A_1092 = tpu.memref_slice %arg4[%dma_start3A_1091, %multiple_of3A_1079] : memref<32x1000000xf32, #tpu.memory_space<hbm>> -> memref<32x128xf32, #tpu.memory_space<hbm>>
        %dma_start3A_1093 = arith.constant 0 : i32
        %dma_start3A_1094 = arith.constant 0 : i32
        %dma_start3A_1095 = tpu.memref_slice %arg9[%dma_start3A_1085, %dma_start3A_1086, %dma_start3A_1093, %dma_start3A_1094] : memref<2x4x32x128xf32, #tpu.memory_space<vmem>> -> memref<1x1x32x128xf32, #tpu.memory_space<vmem>>
        %dma_start3A_1096 = tpu.memref_squeeze %dma_start3A_1095 : memref<1x1x32x128xf32, #tpu.memory_space<vmem>> -> memref<32x128xf32, #tpu.memory_space<vmem>>
        %dma_start3A_1097 = arith.constant 0 : i32
        %dma_start3A_1098 = tpu.memref_slice %arg4[%dma_start3A_1097, %multiple_of3A_1079] : memref<32x1000000xf32, #tpu.memory_space<hbm>> -> memref<32x128xf32, #tpu.memory_space<hbm>>
        tpu.enqueue_dma source(%dma_start3A_1098 : memref<32x128xf32, #tpu.memory_space<hbm>>) target(%dma_start3A_1096 : memref<32x128xf32, #tpu.memory_space<vmem>>) target_semaphore(%arg12 : memref<!tpu.dma_semaphore, #tpu.memory_space<semaphore_mem>>)
        %dma_start3A_1099 = arith.constant 0 : i32
        %dma_start3A_1100 = arith.constant 3 : i32
        %dma_start3A_1101 = arith.constant 0 : i32
        %dma_start3A_1102 = arith.constant 0 : i32
        %dma_start3A_1103 = tpu.memref_slice %arg10[%dma_start3A_1099, %dma_start3A_1100, %dma_start3A_1101, %dma_start3A_1102] : memref<2x4x32x128xf32, #tpu.memory_space<vmem>> -> memref<1x1x32x128xf32, #tpu.memory_space<vmem>>
        %dma_start3A_1104 = tpu.memref_squeeze %dma_start3A_1103 : memref<1x1x32x128xf32, #tpu.memory_space<vmem>> -> memref<32x128xf32, #tpu.memory_space<vmem>>
        %dma_start3A_1105 = arith.constant 0 : i32
        %dma_start3A_1106 = tpu.memref_slice %arg5[%dma_start3A_1105, %multiple_of3A_1084] : memref<32x1000000xf32, #tpu.memory_space<hbm>> -> memref<32x128xf32, #tpu.memory_space<hbm>>
        %dma_start3A_1107 = arith.constant 0 : i32
        %dma_start3A_1108 = arith.constant 0 : i32
        %dma_start3A_1109 = tpu.memref_slice %arg10[%dma_start3A_1099, %dma_start3A_1100, %dma_start3A_1107, %dma_start3A_1108] : memref<2x4x32x128xf32, #tpu.memory_space<vmem>> -> memref<1x1x32x128xf32, #tpu.memory_space<vmem>>
        %dma_start3A_1110 = tpu.memref_squeeze %dma_start3A_1109 : memref<1x1x32x128xf32, #tpu.memory_space<vmem>> -> memref<32x128xf32, #tpu.memory_space<vmem>>
        %dma_start3A_1111 = arith.constant 0 : i32
        %dma_start3A_1112 = tpu.memref_slice %arg5[%dma_start3A_1111, %multiple_of3A_1084] : memref<32x1000000xf32, #tpu.memory_space<hbm>> -> memref<32x128xf32, #tpu.memory_space<hbm>>
        tpu.enqueue_dma source(%dma_start3A_1112 : memref<32x128xf32, #tpu.memory_space<hbm>>) target(%dma_start3A_1110 : memref<32x128xf32, #tpu.memory_space<vmem>>) target_semaphore(%arg12 : memref<!tpu.dma_semaphore, #tpu.memory_space<semaphore_mem>>)
      } else {
      }
      %dma_wait3A_635 = arith.constant 1 : i32
      %dma_wait3A_636 = arith.constant 0 : i32
      %dma_wait3A_637 = arith.constant 0 : i32
      %dma_wait3A_638 = arith.constant 0 : i32
      %dma_wait3A_639 = tpu.memref_slice %arg9[%dma_wait3A_635, %dma_wait3A_636, %dma_wait3A_637, %dma_wait3A_638] : memref<2x4x32x128xf32, #tpu.memory_space<vmem>> -> memref<1x1x32x128xf32, #tpu.memory_space<vmem>>
      %dma_wait3A_640 = tpu.memref_squeeze %dma_wait3A_639 : memref<1x1x32x128xf32, #tpu.memory_space<vmem>> -> memref<32x128xf32, #tpu.memory_space<vmem>>
      %dma_wait3A_641 = arith.constant 0 : i32
      %dma_wait3A_642 = arith.constant 0 : i32
      %dma_wait3A_643 = tpu.memref_slice %arg4[%dma_wait3A_641, %dma_wait3A_642] : memref<32x1000000xf32, #tpu.memory_space<hbm>> -> memref<32x128xf32, #tpu.memory_space<hbm>>
      %dma_wait3A_644 = arith.constant 0 : i32
      %dma_wait3A_645 = arith.constant 0 : i32
      %dma_wait3A_646 = tpu.memref_slice %arg9[%dma_wait3A_635, %dma_wait3A_636, %dma_wait3A_644, %dma_wait3A_645] : memref<2x4x32x128xf32, #tpu.memory_space<vmem>> -> memref<1x1x32x128xf32, #tpu.memory_space<vmem>>
      %dma_wait3A_647 = tpu.memref_squeeze %dma_wait3A_646 : memref<1x1x32x128xf32, #tpu.memory_space<vmem>> -> memref<32x128xf32, #tpu.memory_space<vmem>>
      %dma_wait3A_648 = arith.constant 0 : i32
      %dma_wait3A_649 = arith.constant 0 : i32
      %dma_wait3A_650 = tpu.memref_slice %arg4[%dma_wait3A_648, %dma_wait3A_649] : memref<32x1000000xf32, #tpu.memory_space<hbm>> -> memref<32x128xf32, #tpu.memory_space<hbm>>
      tpu.wait_dma2 semaphore(%arg13 : memref<!tpu.dma_semaphore, #tpu.memory_space<semaphore_mem>>) src(%dma_wait3A_650 : memref<32x128xf32, #tpu.memory_space<hbm>>) dst(%dma_wait3A_647 : memref<32x128xf32, #tpu.memory_space<vmem>>)
      %dma_wait3A_651 = arith.constant 1 : i32
      %dma_wait3A_652 = arith.constant 0 : i32
      %dma_wait3A_653 = arith.constant 0 : i32
      %dma_wait3A_654 = arith.constant 0 : i32
      %dma_wait3A_655 = tpu.memref_slice %arg10[%dma_wait3A_651, %dma_wait3A_652, %dma_wait3A_653, %dma_wait3A_654] : memref<2x4x32x128xf32, #tpu.memory_space<vmem>> -> memref<1x1x32x128xf32, #tpu.memory_space<vmem>>
      %dma_wait3A_656 = tpu.memref_squeeze %dma_wait3A_655 : memref<1x1x32x128xf32, #tpu.memory_space<vmem>> -> memref<32x128xf32, #tpu.memory_space<vmem>>
      %dma_wait3A_657 = arith.constant 0 : i32
      %dma_wait3A_658 = arith.constant 0 : i32
      %dma_wait3A_659 = tpu.memref_slice %arg5[%dma_wait3A_657, %dma_wait3A_658] : memref<32x1000000xf32, #tpu.memory_space<hbm>> -> memref<32x128xf32, #tpu.memory_space<hbm>>
      %dma_wait3A_660 = arith.constant 0 : i32
      %dma_wait3A_661 = arith.constant 0 : i32
      %dma_wait3A_662 = tpu.memref_slice %arg10[%dma_wait3A_651, %dma_wait3A_652, %dma_wait3A_660, %dma_wait3A_661] : memref<2x4x32x128xf32, #tpu.memory_space<vmem>> -> memref<1x1x32x128xf32, #tpu.memory_space<vmem>>
      %dma_wait3A_663 = tpu.memref_squeeze %dma_wait3A_662 : memref<1x1x32x128xf32, #tpu.memory_space<vmem>> -> memref<32x128xf32, #tpu.memory_space<vmem>>
      %dma_wait3A_664 = arith.constant 0 : i32
      %dma_wait3A_665 = arith.constant 0 : i32
      %dma_wait3A_666 = tpu.memref_slice %arg5[%dma_wait3A_664, %dma_wait3A_665] : memref<32x1000000xf32, #tpu.memory_space<hbm>> -> memref<32x128xf32, #tpu.memory_space<hbm>>
      tpu.wait_dma2 semaphore(%arg13 : memref<!tpu.dma_semaphore, #tpu.memory_space<semaphore_mem>>) src(%dma_wait3A_666 : memref<32x128xf32, #tpu.memory_space<hbm>>) dst(%dma_wait3A_663 : memref<32x128xf32, #tpu.memory_space<vmem>>)
      %dma_wait3A_667 = arith.constant 1 : i32
      %dma_wait3A_668 = arith.constant 1 : i32
      %dma_wait3A_669 = arith.constant 0 : i32
      %dma_wait3A_670 = arith.constant 0 : i32
      %dma_wait3A_671 = tpu.memref_slice %arg9[%dma_wait3A_667, %dma_wait3A_668, %dma_wait3A_669, %dma_wait3A_670] : memref<2x4x32x128xf32, #tpu.memory_space<vmem>> -> memref<1x1x32x128xf32, #tpu.memory_space<vmem>>
      %dma_wait3A_672 = tpu.memref_squeeze %dma_wait3A_671 : memref<1x1x32x128xf32, #tpu.memory_space<vmem>> -> memref<32x128xf32, #tpu.memory_space<vmem>>
      %dma_wait3A_673 = arith.constant 0 : i32
      %dma_wait3A_674 = arith.constant 0 : i32
      %dma_wait3A_675 = tpu.memref_slice %arg4[%dma_wait3A_673, %dma_wait3A_674] : memref<32x1000000xf32, #tpu.memory_space<hbm>> -> memref<32x128xf32, #tpu.memory_space<hbm>>
      %dma_wait3A_676 = arith.constant 0 : i32
      %dma_wait3A_677 = arith.constant 0 : i32
      %dma_wait3A_678 = tpu.memref_slice %arg9[%dma_wait3A_667, %dma_wait3A_668, %dma_wait3A_676, %dma_wait3A_677] : memref<2x4x32x128xf32, #tpu.memory_space<vmem>> -> memref<1x1x32x128xf32, #tpu.memory_space<vmem>>
      %dma_wait3A_679 = tpu.memref_squeeze %dma_wait3A_678 : memref<1x1x32x128xf32, #tpu.memory_space<vmem>> -> memref<32x128xf32, #tpu.memory_space<vmem>>
      %dma_wait3A_680 = arith.constant 0 : i32
      %dma_wait3A_681 = arith.constant 0 : i32
      %dma_wait3A_682 = tpu.memref_slice %arg4[%dma_wait3A_680, %dma_wait3A_681] : memref<32x1000000xf32, #tpu.memory_space<hbm>> -> memref<32x128xf32, #tpu.memory_space<hbm>>
      tpu.wait_dma2 semaphore(%arg13 : memref<!tpu.dma_semaphore, #tpu.memory_space<semaphore_mem>>) src(%dma_wait3A_682 : memref<32x128xf32, #tpu.memory_space<hbm>>) dst(%dma_wait3A_679 : memref<32x128xf32, #tpu.memory_space<vmem>>)
      %dma_wait3A_683 = arith.constant 1 : i32
      %dma_wait3A_684 = arith.constant 1 : i32
      %dma_wait3A_685 = arith.constant 0 : i32
      %dma_wait3A_686 = arith.constant 0 : i32
      %dma_wait3A_687 = tpu.memref_slice %arg10[%dma_wait3A_683, %dma_wait3A_684, %dma_wait3A_685, %dma_wait3A_686] : memref<2x4x32x128xf32, #tpu.memory_space<vmem>> -> memref<1x1x32x128xf32, #tpu.memory_space<vmem>>
      %dma_wait3A_688 = tpu.memref_squeeze %dma_wait3A_687 : memref<1x1x32x128xf32, #tpu.memory_space<vmem>> -> memref<32x128xf32, #tpu.memory_space<vmem>>
      %dma_wait3A_689 = arith.constant 0 : i32
      %dma_wait3A_690 = arith.constant 0 : i32
      %dma_wait3A_691 = tpu.memref_slice %arg5[%dma_wait3A_689, %dma_wait3A_690] : memref<32x1000000xf32, #tpu.memory_space<hbm>> -> memref<32x128xf32, #tpu.memory_space<hbm>>
      %dma_wait3A_692 = arith.constant 0 : i32
      %dma_wait3A_693 = arith.constant 0 : i32
      %dma_wait3A_694 = tpu.memref_slice %arg10[%dma_wait3A_683, %dma_wait3A_684, %dma_wait3A_692, %dma_wait3A_693] : memref<2x4x32x128xf32, #tpu.memory_space<vmem>> -> memref<1x1x32x128xf32, #tpu.memory_space<vmem>>
      %dma_wait3A_695 = tpu.memref_squeeze %dma_wait3A_694 : memref<1x1x32x128xf32, #tpu.memory_space<vmem>> -> memref<32x128xf32, #tpu.memory_space<vmem>>
      %dma_wait3A_696 = arith.constant 0 : i32
      %dma_wait3A_697 = arith.constant 0 : i32
      %dma_wait3A_698 = tpu.memref_slice %arg5[%dma_wait3A_696, %dma_wait3A_697] : memref<32x1000000xf32, #tpu.memory_space<hbm>> -> memref<32x128xf32, #tpu.memory_space<hbm>>
      tpu.wait_dma2 semaphore(%arg13 : memref<!tpu.dma_semaphore, #tpu.memory_space<semaphore_mem>>) src(%dma_wait3A_698 : memref<32x128xf32, #tpu.memory_space<hbm>>) dst(%dma_wait3A_695 : memref<32x128xf32, #tpu.memory_space<vmem>>)
      %dma_wait3A_699 = arith.constant 1 : i32
      %dma_wait3A_700 = arith.constant 2 : i32
      %dma_wait3A_701 = arith.constant 0 : i32
      %dma_wait3A_702 = arith.constant 0 : i32
      %dma_wait3A_703 = tpu.memref_slice %arg9[%dma_wait3A_699, %dma_wait3A_700, %dma_wait3A_701, %dma_wait3A_702] : memref<2x4x32x128xf32, #tpu.memory_space<vmem>> -> memref<1x1x32x128xf32, #tpu.memory_space<vmem>>
      %dma_wait3A_704 = tpu.memref_squeeze %dma_wait3A_703 : memref<1x1x32x128xf32, #tpu.memory_space<vmem>> -> memref<32x128xf32, #tpu.memory_space<vmem>>
      %dma_wait3A_705 = arith.constant 0 : i32
      %dma_wait3A_706 = arith.constant 0 : i32
      %dma_wait3A_707 = tpu.memref_slice %arg4[%dma_wait3A_705, %dma_wait3A_706] : memref<32x1000000xf32, #tpu.memory_space<hbm>> -> memref<32x128xf32, #tpu.memory_space<hbm>>
      %dma_wait3A_708 = arith.constant 0 : i32
      %dma_wait3A_709 = arith.constant 0 : i32
      %dma_wait3A_710 = tpu.memref_slice %arg9[%dma_wait3A_699, %dma_wait3A_700, %dma_wait3A_708, %dma_wait3A_709] : memref<2x4x32x128xf32, #tpu.memory_space<vmem>> -> memref<1x1x32x128xf32, #tpu.memory_space<vmem>>
      %dma_wait3A_711 = tpu.memref_squeeze %dma_wait3A_710 : memref<1x1x32x128xf32, #tpu.memory_space<vmem>> -> memref<32x128xf32, #tpu.memory_space<vmem>>
      %dma_wait3A_712 = arith.constant 0 : i32
      %dma_wait3A_713 = arith.constant 0 : i32
      %dma_wait3A_714 = tpu.memref_slice %arg4[%dma_wait3A_712, %dma_wait3A_713] : memref<32x1000000xf32, #tpu.memory_space<hbm>> -> memref<32x128xf32, #tpu.memory_space<hbm>>
      tpu.wait_dma2 semaphore(%arg13 : memref<!tpu.dma_semaphore, #tpu.memory_space<semaphore_mem>>) src(%dma_wait3A_714 : memref<32x128xf32, #tpu.memory_space<hbm>>) dst(%dma_wait3A_711 : memref<32x128xf32, #tpu.memory_space<vmem>>)
      %dma_wait3A_715 = arith.constant 1 : i32
      %dma_wait3A_716 = arith.constant 2 : i32
      %dma_wait3A_717 = arith.constant 0 : i32
      %dma_wait3A_718 = arith.constant 0 : i32
      %dma_wait3A_719 = tpu.memref_slice %arg10[%dma_wait3A_715, %dma_wait3A_716, %dma_wait3A_717, %dma_wait3A_718] : memref<2x4x32x128xf32, #tpu.memory_space<vmem>> -> memref<1x1x32x128xf32, #tpu.memory_space<vmem>>
      %dma_wait3A_720 = tpu.memref_squeeze %dma_wait3A_719 : memref<1x1x32x128xf32, #tpu.memory_space<vmem>> -> memref<32x128xf32, #tpu.memory_space<vmem>>
      %dma_wait3A_721 = arith.constant 0 : i32
      %dma_wait3A_722 = arith.constant 0 : i32
      %dma_wait3A_723 = tpu.memref_slice %arg5[%dma_wait3A_721, %dma_wait3A_722] : memref<32x1000000xf32, #tpu.memory_space<hbm>> -> memref<32x128xf32, #tpu.memory_space<hbm>>
      %dma_wait3A_724 = arith.constant 0 : i32
      %dma_wait3A_725 = arith.constant 0 : i32
      %dma_wait3A_726 = tpu.memref_slice %arg10[%dma_wait3A_715, %dma_wait3A_716, %dma_wait3A_724, %dma_wait3A_725] : memref<2x4x32x128xf32, #tpu.memory_space<vmem>> -> memref<1x1x32x128xf32, #tpu.memory_space<vmem>>
      %dma_wait3A_727 = tpu.memref_squeeze %dma_wait3A_726 : memref<1x1x32x128xf32, #tpu.memory_space<vmem>> -> memref<32x128xf32, #tpu.memory_space<vmem>>
      %dma_wait3A_728 = arith.constant 0 : i32
      %dma_wait3A_729 = arith.constant 0 : i32
      %dma_wait3A_730 = tpu.memref_slice %arg5[%dma_wait3A_728, %dma_wait3A_729] : memref<32x1000000xf32, #tpu.memory_space<hbm>> -> memref<32x128xf32, #tpu.memory_space<hbm>>
      tpu.wait_dma2 semaphore(%arg13 : memref<!tpu.dma_semaphore, #tpu.memory_space<semaphore_mem>>) src(%dma_wait3A_730 : memref<32x128xf32, #tpu.memory_space<hbm>>) dst(%dma_wait3A_727 : memref<32x128xf32, #tpu.memory_space<vmem>>)
      %dma_wait3A_731 = arith.constant 1 : i32
      %dma_wait3A_732 = arith.constant 3 : i32
      %dma_wait3A_733 = arith.constant 0 : i32
      %dma_wait3A_734 = arith.constant 0 : i32
      %dma_wait3A_735 = tpu.memref_slice %arg9[%dma_wait3A_731, %dma_wait3A_732, %dma_wait3A_733, %dma_wait3A_734] : memref<2x4x32x128xf32, #tpu.memory_space<vmem>> -> memref<1x1x32x128xf32, #tpu.memory_space<vmem>>
      %dma_wait3A_736 = tpu.memref_squeeze %dma_wait3A_735 : memref<1x1x32x128xf32, #tpu.memory_space<vmem>> -> memref<32x128xf32, #tpu.memory_space<vmem>>
      %dma_wait3A_737 = arith.constant 0 : i32
      %dma_wait3A_738 = arith.constant 0 : i32
      %dma_wait3A_739 = tpu.memref_slice %arg4[%dma_wait3A_737, %dma_wait3A_738] : memref<32x1000000xf32, #tpu.memory_space<hbm>> -> memref<32x128xf32, #tpu.memory_space<hbm>>
      %dma_wait3A_740 = arith.constant 0 : i32
      %dma_wait3A_741 = arith.constant 0 : i32
      %dma_wait3A_742 = tpu.memref_slice %arg9[%dma_wait3A_731, %dma_wait3A_732, %dma_wait3A_740, %dma_wait3A_741] : memref<2x4x32x128xf32, #tpu.memory_space<vmem>> -> memref<1x1x32x128xf32, #tpu.memory_space<vmem>>
      %dma_wait3A_743 = tpu.memref_squeeze %dma_wait3A_742 : memref<1x1x32x128xf32, #tpu.memory_space<vmem>> -> memref<32x128xf32, #tpu.memory_space<vmem>>
      %dma_wait3A_744 = arith.constant 0 : i32
      %dma_wait3A_745 = arith.constant 0 : i32
      %dma_wait3A_746 = tpu.memref_slice %arg4[%dma_wait3A_744, %dma_wait3A_745] : memref<32x1000000xf32, #tpu.memory_space<hbm>> -> memref<32x128xf32, #tpu.memory_space<hbm>>
      tpu.wait_dma2 semaphore(%arg13 : memref<!tpu.dma_semaphore, #tpu.memory_space<semaphore_mem>>) src(%dma_wait3A_746 : memref<32x128xf32, #tpu.memory_space<hbm>>) dst(%dma_wait3A_743 : memref<32x128xf32, #tpu.memory_space<vmem>>)
      %dma_wait3A_747 = arith.constant 1 : i32
      %dma_wait3A_748 = arith.constant 3 : i32
      %dma_wait3A_749 = arith.constant 0 : i32
      %dma_wait3A_750 = arith.constant 0 : i32
      %dma_wait3A_751 = tpu.memref_slice %arg10[%dma_wait3A_747, %dma_wait3A_748, %dma_wait3A_749, %dma_wait3A_750] : memref<2x4x32x128xf32, #tpu.memory_space<vmem>> -> memref<1x1x32x128xf32, #tpu.memory_space<vmem>>
      %dma_wait3A_752 = tpu.memref_squeeze %dma_wait3A_751 : memref<1x1x32x128xf32, #tpu.memory_space<vmem>> -> memref<32x128xf32, #tpu.memory_space<vmem>>
      %dma_wait3A_753 = arith.constant 0 : i32
      %dma_wait3A_754 = arith.constant 0 : i32
      %dma_wait3A_755 = tpu.memref_slice %arg5[%dma_wait3A_753, %dma_wait3A_754] : memref<32x1000000xf32, #tpu.memory_space<hbm>> -> memref<32x128xf32, #tpu.memory_space<hbm>>
      %dma_wait3A_756 = arith.constant 0 : i32
      %dma_wait3A_757 = arith.constant 0 : i32
      %dma_wait3A_758 = tpu.memref_slice %arg10[%dma_wait3A_747, %dma_wait3A_748, %dma_wait3A_756, %dma_wait3A_757] : memref<2x4x32x128xf32, #tpu.memory_space<vmem>> -> memref<1x1x32x128xf32, #tpu.memory_space<vmem>>
      %dma_wait3A_759 = tpu.memref_squeeze %dma_wait3A_758 : memref<1x1x32x128xf32, #tpu.memory_space<vmem>> -> memref<32x128xf32, #tpu.memory_space<vmem>>
      %dma_wait3A_760 = arith.constant 0 : i32
      %dma_wait3A_761 = arith.constant 0 : i32
      %dma_wait3A_762 = tpu.memref_slice %arg5[%dma_wait3A_760, %dma_wait3A_761] : memref<32x1000000xf32, #tpu.memory_space<hbm>> -> memref<32x128xf32, #tpu.memory_space<hbm>>
      tpu.wait_dma2 semaphore(%arg13 : memref<!tpu.dma_semaphore, #tpu.memory_space<semaphore_mem>>) src(%dma_wait3A_762 : memref<32x128xf32, #tpu.memory_space<hbm>>) dst(%dma_wait3A_759 : memref<32x128xf32, #tpu.memory_space<vmem>>)
      %add3A_763 = arith.constant 1 : i32
      %add3A_764 = arith.addi %mul3A_177, %add3A_763 : i32
      %broadcast_in_dim3A_765 = arith.constant 1 : i32
      %broadcast_in_dim3A_766 = vector.broadcast %broadcast_in_dim3A_765 : i32 to vector<16xi32>
      %mul3A_767 = arith.constant 4 : i32
      %mul3A_768 = arith.muli %add3A_764, %mul3A_767 : i32
      %get3A_769 = arith.index_cast %mul3A_768 : i32 to index
      %get3A_770 = tpu.vector_load %arg7[%get3A_769] {strides = array<i32>} : memref<528xi32, #tpu.memory_space<vmem>>, vector<16xi32>,
      %and3A_771 = arith.constant 127 : i32
      %and3A_772 = vector.broadcast %and3A_771 : i32 to vector<16xi32>
      %and3A_773 = arith.andi %get3A_770, %and3A_772 : vector<16xi32>
      %mul3A_774 = arith.constant 4 : i32
      %mul3A_775 = arith.muli %add3A_764, %mul3A_774 : i32
      %get3A_776 = arith.index_cast %mul3A_775 : i32 to index
      %get3A_777 = tpu.vector_load %arg8[%get3A_776] {strides = array<i32>} : memref<528xi32, #tpu.memory_space<vmem>>, vector<16xi32>,
      %and3A_778 = arith.constant 127 : i32
      %and3A_779 = vector.broadcast %and3A_778 : i32 to vector<16xi32>
      %and3A_780 = arith.andi %get3A_777, %and3A_779 : vector<16xi32>
      %mul3A_781 = arith.constant 4 : i32
      %mul3A_782 = arith.muli %add3A_764, %mul3A_781 : i32
      %add3A_783 = arith.constant 0 : i32
      %add3A_784 = arith.addi %mul3A_782, %add3A_783 : i32
      %slice3A_785 = vector.extract_strided_slice %and3A_773 {offsets = [0], sizes = [1], strides = [1]} : vector<16xi32> to vector<1xi32>
      %squeeze3A_786 = vector.extract %slice3A_785[0] : i32 from vector<1xi32>
      %broadcast_in_dim3A_787 = vector.broadcast %squeeze3A_786 : i32 to vector<16xi32>
      %slice3A_788 = vector.extract_strided_slice %and3A_780 {offsets = [0], sizes = [1], strides = [1]} : vector<16xi32> to vector<1xi32>
      %squeeze3A_789 = vector.extract %slice3A_788[0] : i32 from vector<1xi32>
      %broadcast_in_dim3A_790 = vector.broadcast %squeeze3A_789 : i32 to vector<16xi32>
      %broadcast_in_dim3A_791 = arith.constant 0 : i32
      %broadcast_in_dim3A_792 = vector.broadcast %broadcast_in_dim3A_791 : i32 to vector<16xi32>
      %gather3A_793 = tpu.vector_load_idx %arg9[%broadcast_in_dim3A_766, %broadcast_in_dim3A_792, %iota3A, %broadcast_in_dim3A_787] : memref<2x4x32x128xf32, #tpu.memory_space<vmem>>[vector<16xi32>, vector<16xi32>, vector<16xi32>, vector<16xi32>], vector<16xf32>,
      %add3A_794 = arith.constant 16 : i32
      %add3A_795 = vector.broadcast %add3A_794 : i32 to vector<16xi32>
      %add3A_796 = arith.addi %iota3A, %add3A_795 : vector<16xi32>
      %gather3A_797 = tpu.vector_load_idx %arg9[%broadcast_in_dim3A_766, %broadcast_in_dim3A_792, %add3A_796, %broadcast_in_dim3A_787] : memref<2x4x32x128xf32, #tpu.memory_space<vmem>>[vector<16xi32>, vector<16xi32>, vector<16xi32>, vector<16xi32>], vector<16xf32>,
      %gather3A_798 = tpu.vector_load_idx %arg10[%broadcast_in_dim3A_766, %broadcast_in_dim3A_792, %iota3A, %broadcast_in_dim3A_790] : memref<2x4x32x128xf32, #tpu.memory_space<vmem>>[vector<16xi32>, vector<16xi32>, vector<16xi32>, vector<16xi32>], vector<16xf32>,
      %add3A_799 = arith.constant 16 : i32
      %add3A_800 = vector.broadcast %add3A_799 : i32 to vector<16xi32>
      %add3A_801 = arith.addi %iota3A, %add3A_800 : vector<16xi32>
      %gather3A_802 = tpu.vector_load_idx %arg10[%broadcast_in_dim3A_766, %broadcast_in_dim3A_792, %add3A_801, %broadcast_in_dim3A_790] : memref<2x4x32x128xf32, #tpu.memory_space<vmem>>[vector<16xi32>, vector<16xi32>, vector<16xi32>, vector<16xi32>], vector<16xf32>,
      %mul3A_803 = arith.mulf %gather3A_793, %gather3A_798 : vector<16xf32>
      %mul3A_804 = arith.mulf %gather3A_797, %gather3A_802 : vector<16xf32>
      %add3A_805 = arith.addf %mul3A_803, %mul3A_804 : vector<16xf32>
      %reduce_sum3A_806 = arith.constant true
      %reduce_sum3A_807 = vector.broadcast %reduce_sum3A_806 : i1 to vector<16xi1>
      %reduce_sum3A_808 = tpu.scan <sum>, %add3A_805 masked %reduce_sum3A_807 : vector<16xf32>, vector<16xi1> -> vector<16xf32>
      %reduce_sum3A_809 = vector.extract %reduce_sum3A_808[15] : f32 from vector<16xf32>
      %rem3A_810 = arith.constant 16 : i32
      %rem3A_811 = arith.remsi %add3A_784, %rem3A_810 : i32
      %eq3A_812 = vector.broadcast %rem3A_811 : i32 to vector<16xi32>
      %eq3A_813 = arith.cmpi eq, %iota3A, %eq3A_812 : vector<16xi32>
      %broadcast_in_dim3A_814 = vector.broadcast %reduce_sum3A_809 : f32 to vector<16xf32>
      %select_n3A_815 = arith.select %eq3A_813, %broadcast_in_dim3A_814, %select_n3A_632 : vector<16xi1>, vector<16xf32>
      %mul3A_816 = arith.constant 4 : i32
      %mul3A_817 = arith.muli %add3A_764, %mul3A_816 : i32
      %add3A_818 = arith.constant 1 : i32
      %add3A_819 = arith.addi %mul3A_817, %add3A_818 : i32
      %slice3A_820 = vector.extract_strided_slice %and3A_773 {offsets = [1], sizes = [1], strides = [1]} : vector<16xi32> to vector<1xi32>
      %squeeze3A_821 = vector.extract %slice3A_820[0] : i32 from vector<1xi32>
      %broadcast_in_dim3A_822 = vector.broadcast %squeeze3A_821 : i32 to vector<16xi32>
      %slice3A_823 = vector.extract_strided_slice %and3A_780 {offsets = [1], sizes = [1], strides = [1]} : vector<16xi32> to vector<1xi32>
      %squeeze3A_824 = vector.extract %slice3A_823[0] : i32 from vector<1xi32>
      %broadcast_in_dim3A_825 = vector.broadcast %squeeze3A_824 : i32 to vector<16xi32>
      %broadcast_in_dim3A_826 = arith.constant 1 : i32
      %broadcast_in_dim3A_827 = vector.broadcast %broadcast_in_dim3A_826 : i32 to vector<16xi32>
      %gather3A_828 = tpu.vector_load_idx %arg9[%broadcast_in_dim3A_766, %broadcast_in_dim3A_827, %iota3A, %broadcast_in_dim3A_822] : memref<2x4x32x128xf32, #tpu.memory_space<vmem>>[vector<16xi32>, vector<16xi32>, vector<16xi32>, vector<16xi32>], vector<16xf32>,
      %add3A_829 = arith.constant 16 : i32
      %add3A_830 = vector.broadcast %add3A_829 : i32 to vector<16xi32>
      %add3A_831 = arith.addi %iota3A, %add3A_830 : vector<16xi32>
      %gather3A_832 = tpu.vector_load_idx %arg9[%broadcast_in_dim3A_766, %broadcast_in_dim3A_827, %add3A_831, %broadcast_in_dim3A_822] : memref<2x4x32x128xf32, #tpu.memory_space<vmem>>[vector<16xi32>, vector<16xi32>, vector<16xi32>, vector<16xi32>], vector<16xf32>,
      %gather3A_833 = tpu.vector_load_idx %arg10[%broadcast_in_dim3A_766, %broadcast_in_dim3A_827, %iota3A, %broadcast_in_dim3A_825] : memref<2x4x32x128xf32, #tpu.memory_space<vmem>>[vector<16xi32>, vector<16xi32>, vector<16xi32>, vector<16xi32>], vector<16xf32>,
      %add3A_834 = arith.constant 16 : i32
      %add3A_835 = vector.broadcast %add3A_834 : i32 to vector<16xi32>
      %add3A_836 = arith.addi %iota3A, %add3A_835 : vector<16xi32>
      %gather3A_837 = tpu.vector_load_idx %arg10[%broadcast_in_dim3A_766, %broadcast_in_dim3A_827, %add3A_836, %broadcast_in_dim3A_825] : memref<2x4x32x128xf32, #tpu.memory_space<vmem>>[vector<16xi32>, vector<16xi32>, vector<16xi32>, vector<16xi32>], vector<16xf32>,
      %mul3A_838 = arith.mulf %gather3A_828, %gather3A_833 : vector<16xf32>
      %mul3A_839 = arith.mulf %gather3A_832, %gather3A_837 : vector<16xf32>
      %add3A_840 = arith.addf %mul3A_838, %mul3A_839 : vector<16xf32>
      %reduce_sum3A_841 = arith.constant true
      %reduce_sum3A_842 = vector.broadcast %reduce_sum3A_841 : i1 to vector<16xi1>
      %reduce_sum3A_843 = tpu.scan <sum>, %add3A_840 masked %reduce_sum3A_842 : vector<16xf32>, vector<16xi1> -> vector<16xf32>
      %reduce_sum3A_844 = vector.extract %reduce_sum3A_843[15] : f32 from vector<16xf32>
      %rem3A_845 = arith.constant 16 : i32
      %rem3A_846 = arith.remsi %add3A_819, %rem3A_845 : i32
      %eq3A_847 = vector.broadcast %rem3A_846 : i32 to vector<16xi32>
      %eq3A_848 = arith.cmpi eq, %iota3A, %eq3A_847 : vector<16xi32>
      %broadcast_in_dim3A_849 = vector.broadcast %reduce_sum3A_844 : f32 to vector<16xf32>
      %select_n3A_850 = arith.select %eq3A_848, %broadcast_in_dim3A_849, %select_n3A_815 : vector<16xi1>, vector<16xf32>
      %mul3A_851 = arith.constant 4 : i32
      %mul3A_852 = arith.muli %add3A_764, %mul3A_851 : i32
      %add3A_853 = arith.constant 2 : i32
      %add3A_854 = arith.addi %mul3A_852, %add3A_853 : i32
      %slice3A_855 = vector.extract_strided_slice %and3A_773 {offsets = [2], sizes = [1], strides = [1]} : vector<16xi32> to vector<1xi32>
      %squeeze3A_856 = vector.extract %slice3A_855[0] : i32 from vector<1xi32>
      %broadcast_in_dim3A_857 = vector.broadcast %squeeze3A_856 : i32 to vector<16xi32>
      %slice3A_858 = vector.extract_strided_slice %and3A_780 {offsets = [2], sizes = [1], strides = [1]} : vector<16xi32> to vector<1xi32>
      %squeeze3A_859 = vector.extract %slice3A_858[0] : i32 from vector<1xi32>
      %broadcast_in_dim3A_860 = vector.broadcast %squeeze3A_859 : i32 to vector<16xi32>
      %broadcast_in_dim3A_861 = arith.constant 2 : i32
      %broadcast_in_dim3A_862 = vector.broadcast %broadcast_in_dim3A_861 : i32 to vector<16xi32>
      %gather3A_863 = tpu.vector_load_idx %arg9[%broadcast_in_dim3A_766, %broadcast_in_dim3A_862, %iota3A, %broadcast_in_dim3A_857] : memref<2x4x32x128xf32, #tpu.memory_space<vmem>>[vector<16xi32>, vector<16xi32>, vector<16xi32>, vector<16xi32>], vector<16xf32>,
      %add3A_864 = arith.constant 16 : i32
      %add3A_865 = vector.broadcast %add3A_864 : i32 to vector<16xi32>
      %add3A_866 = arith.addi %iota3A, %add3A_865 : vector<16xi32>
      %gather3A_867 = tpu.vector_load_idx %arg9[%broadcast_in_dim3A_766, %broadcast_in_dim3A_862, %add3A_866, %broadcast_in_dim3A_857] : memref<2x4x32x128xf32, #tpu.memory_space<vmem>>[vector<16xi32>, vector<16xi32>, vector<16xi32>, vector<16xi32>], vector<16xf32>,
      %gather3A_868 = tpu.vector_load_idx %arg10[%broadcast_in_dim3A_766, %broadcast_in_dim3A_862, %iota3A, %broadcast_in_dim3A_860] : memref<2x4x32x128xf32, #tpu.memory_space<vmem>>[vector<16xi32>, vector<16xi32>, vector<16xi32>, vector<16xi32>], vector<16xf32>,
      %add3A_869 = arith.constant 16 : i32
      %add3A_870 = vector.broadcast %add3A_869 : i32 to vector<16xi32>
      %add3A_871 = arith.addi %iota3A, %add3A_870 : vector<16xi32>
      %gather3A_872 = tpu.vector_load_idx %arg10[%broadcast_in_dim3A_766, %broadcast_in_dim3A_862, %add3A_871, %broadcast_in_dim3A_860] : memref<2x4x32x128xf32, #tpu.memory_space<vmem>>[vector<16xi32>, vector<16xi32>, vector<16xi32>, vector<16xi32>], vector<16xf32>,
      %mul3A_873 = arith.mulf %gather3A_863, %gather3A_868 : vector<16xf32>
      %mul3A_874 = arith.mulf %gather3A_867, %gather3A_872 : vector<16xf32>
      %add3A_875 = arith.addf %mul3A_873, %mul3A_874 : vector<16xf32>
      %reduce_sum3A_876 = arith.constant true
      %reduce_sum3A_877 = vector.broadcast %reduce_sum3A_876 : i1 to vector<16xi1>
      %reduce_sum3A_878 = tpu.scan <sum>, %add3A_875 masked %reduce_sum3A_877 : vector<16xf32>, vector<16xi1> -> vector<16xf32>
      %reduce_sum3A_879 = vector.extract %reduce_sum3A_878[15] : f32 from vector<16xf32>
      %rem3A_880 = arith.constant 16 : i32
      %rem3A_881 = arith.remsi %add3A_854, %rem3A_880 : i32
      %eq3A_882 = vector.broadcast %rem3A_881 : i32 to vector<16xi32>
      %eq3A_883 = arith.cmpi eq, %iota3A, %eq3A_882 : vector<16xi32>
      %broadcast_in_dim3A_884 = vector.broadcast %reduce_sum3A_879 : f32 to vector<16xf32>
      %select_n3A_885 = arith.select %eq3A_883, %broadcast_in_dim3A_884, %select_n3A_850 : vector<16xi1>, vector<16xf32>
      %mul3A_886 = arith.constant 4 : i32
      %mul3A_887 = arith.muli %add3A_764, %mul3A_886 : i32
      %add3A_888 = arith.constant 3 : i32
      %add3A_889 = arith.addi %mul3A_887, %add3A_888 : i32
      %slice3A_890 = vector.extract_strided_slice %and3A_773 {offsets = [3], sizes = [1], strides = [1]} : vector<16xi32> to vector<1xi32>
      %squeeze3A_891 = vector.extract %slice3A_890[0] : i32 from vector<1xi32>
      %broadcast_in_dim3A_892 = vector.broadcast %squeeze3A_891 : i32 to vector<16xi32>
      %slice3A_893 = vector.extract_strided_slice %and3A_780 {offsets = [3], sizes = [1], strides = [1]} : vector<16xi32> to vector<1xi32>
      %squeeze3A_894 = vector.extract %slice3A_893[0] : i32 from vector<1xi32>
      %broadcast_in_dim3A_895 = vector.broadcast %squeeze3A_894 : i32 to vector<16xi32>
      %broadcast_in_dim3A_896 = arith.constant 3 : i32
      %broadcast_in_dim3A_897 = vector.broadcast %broadcast_in_dim3A_896 : i32 to vector<16xi32>
      %gather3A_898 = tpu.vector_load_idx %arg9[%broadcast_in_dim3A_766, %broadcast_in_dim3A_897, %iota3A, %broadcast_in_dim3A_892] : memref<2x4x32x128xf32, #tpu.memory_space<vmem>>[vector<16xi32>, vector<16xi32>, vector<16xi32>, vector<16xi32>], vector<16xf32>,
      %add3A_899 = arith.constant 16 : i32
      %add3A_900 = vector.broadcast %add3A_899 : i32 to vector<16xi32>
      %add3A_901 = arith.addi %iota3A, %add3A_900 : vector<16xi32>
      %gather3A_902 = tpu.vector_load_idx %arg9[%broadcast_in_dim3A_766, %broadcast_in_dim3A_897, %add3A_901, %broadcast_in_dim3A_892] : memref<2x4x32x128xf32, #tpu.memory_space<vmem>>[vector<16xi32>, vector<16xi32>, vector<16xi32>, vector<16xi32>], vector<16xf32>,
      %gather3A_903 = tpu.vector_load_idx %arg10[%broadcast_in_dim3A_766, %broadcast_in_dim3A_897, %iota3A, %broadcast_in_dim3A_895] : memref<2x4x32x128xf32, #tpu.memory_space<vmem>>[vector<16xi32>, vector<16xi32>, vector<16xi32>, vector<16xi32>], vector<16xf32>,
      %add3A_904 = arith.constant 16 : i32
      %add3A_905 = vector.broadcast %add3A_904 : i32 to vector<16xi32>
      %add3A_906 = arith.addi %iota3A, %add3A_905 : vector<16xi32>
      %gather3A_907 = tpu.vector_load_idx %arg10[%broadcast_in_dim3A_766, %broadcast_in_dim3A_897, %add3A_906, %broadcast_in_dim3A_895] : memref<2x4x32x128xf32, #tpu.memory_space<vmem>>[vector<16xi32>, vector<16xi32>, vector<16xi32>, vector<16xi32>], vector<16xf32>,
      %mul3A_908 = arith.mulf %gather3A_898, %gather3A_903 : vector<16xf32>
      %mul3A_909 = arith.mulf %gather3A_902, %gather3A_907 : vector<16xf32>
      %add3A_910 = arith.addf %mul3A_908, %mul3A_909 : vector<16xf32>
      %reduce_sum3A_911 = arith.constant true
      %reduce_sum3A_912 = vector.broadcast %reduce_sum3A_911 : i1 to vector<16xi1>
      %reduce_sum3A_913 = tpu.scan <sum>, %add3A_910 masked %reduce_sum3A_912 : vector<16xf32>, vector<16xi1> -> vector<16xf32>
      %reduce_sum3A_914 = vector.extract %reduce_sum3A_913[15] : f32 from vector<16xf32>
      %rem3A_915 = arith.constant 16 : i32
      %rem3A_916 = arith.remsi %add3A_889, %rem3A_915 : i32
      %eq3A_917 = vector.broadcast %rem3A_916 : i32 to vector<16xi32>
      %eq3A_918 = arith.cmpi eq, %iota3A, %eq3A_917 : vector<16xi32>
      %broadcast_in_dim3A_919 = vector.broadcast %reduce_sum3A_914 : f32 to vector<16xf32>
      %select_n3A_920 = arith.select %eq3A_918, %broadcast_in_dim3A_919, %select_n3A_885 : vector<16xi1>, vector<16xf32>
      %rem3A_921 = arith.constant 2 : i32
      %rem3A_922 = arith.remsi %scan3A_174, %rem3A_921 : i32
      %eq3A_923 = arith.constant 1 : i32
      %eq3A_924 = arith.cmpi eq, %rem3A_922, %eq3A_923 : i32
      %convert_element_type3A_925 = arith.extui %eq3A_924 : i1 to i32
      %cond3A_926 = arith.constant 0 : i32
      %cond3A_927 = arith.cmpi ne, %convert_element_type3A_925, %cond3A_926 : i32
      scf.if %cond3A_927 {
        %sub3A = arith.constant 1 : i32
        %sub3A_935 = arith.subi %scan3A_174, %sub3A : i32
        %mul3A_936 = arith.constant 2 : i32
        %mul3A_937 = arith.muli %sub3A_935, %mul3A_936 : i32
        %mul3A_938 = arith.constant 4 : i32
        %mul3A_939 = arith.muli %mul3A_937, %mul3A_938 : i32
        %swap3A = arith.index_cast %mul3A_939 : i32 to index
        %swap3A_940 = tpu.vector_load %arg11[%swap3A] {strides = array<i32>} : memref<512xf32, #tpu.memory_space<vmem>>, vector<16xf32>,
        tpu.vector_store %arg11[%swap3A], %select_n3A_920 {strides = array<i32>} : memref<512xf32, #tpu.memory_space<vmem>>, vector<16xf32>,
      } else {
      }
      %rem3A_928 = arith.constant 2 : i32
      %rem3A_929 = arith.remsi %scan3A_174, %rem3A_928 : i32
      %eq3A_930 = arith.constant 1 : i32
      %eq3A_931 = arith.cmpi eq, %rem3A_929, %eq3A_930 : i32
      %broadcast_in_dim3A_932 = arith.constant 0.000000e+00 : f32
      %broadcast_in_dim3A_933 = vector.broadcast %broadcast_in_dim3A_932 : f32 to vector<16xf32>
      %select_n3A_934 = arith.select %eq3A_931, %broadcast_in_dim3A_933, %select_n3A_920 : vector<16xf32>
      scf.yield %select_n3A_934 : vector<16xf32>
    }
    %scan3A_173 = arith.constant 64 : i32
    "tpu.region"() ({
      %run_scoped3A = tpu.sem_alloc : memref<!tpu.dma_semaphore, #tpu.memory_space<semaphore_mem>>
      %dma_start3A_174 = tpu.memref_slice %arg6[%mul3A_2] : memref<16384xf32, #tpu.memory_space<hbm>> -> memref<512xf32, #tpu.memory_space<hbm>>
      %dma_start3A_175 = tpu.memref_slice %arg6[%mul3A_2] : memref<16384xf32, #tpu.memory_space<hbm>> -> memref<512xf32, #tpu.memory_space<hbm>>
      tpu.enqueue_dma source(%arg11 : memref<512xf32, #tpu.memory_space<vmem>>) target(%dma_start3A_175 : memref<512xf32, #tpu.memory_space<hbm>>) target_semaphore(%run_scoped3A : memref<!tpu.dma_semaphore, #tpu.memory_space<semaphore_mem>>)
      %dma_wait3A = tpu.memref_slice %arg6[%mul3A_2] : memref<16384xf32, #tpu.memory_space<hbm>> -> memref<512xf32, #tpu.memory_space<hbm>>
      %dma_wait3A_176 = tpu.memref_slice %arg6[%mul3A_2] : memref<16384xf32, #tpu.memory_space<hbm>> -> memref<512xf32, #tpu.memory_space<hbm>>
      tpu.wait_dma2 semaphore(%run_scoped3A : memref<!tpu.dma_semaphore, #tpu.memory_space<semaphore_mem>>) src(%arg11 : memref<512xf32, #tpu.memory_space<vmem>>) dst(%dma_wait3A_176 : memref<512xf32, #tpu.memory_space<hbm>>)
      tpu.yield
    }) : () -> ()
    return
  }
}

</mosaic_0001>

<sc_bundles>
// kernel: kernel.3.cloned.1.call-start
scs
__scs_entry_jumppad:
0x0: {  	(pc) =	sbr.rel $0x88, $3  }
0x1: {  	(tag) =	ssettag $0x0;
	lr =	simm.s32 $0x1  }
0x2: {  	[smem:$0x3F9D] =	sst lr;
	_ =	strace $0xD0000000  }
0x3: {  	_ = 	snop  }
0x4: {  	_ = 	snop  }
0x5: {  	_ = 	snop  }
0x6: {  	_ = 	snop  }
0x7: {  	_ = 	snop  }
__scs_overlays_trampoline_lowered:
0x8: {  	[smem:$0x3FAC] =	sst s0  }
0x9: {  	[smem:$0x3FAD] =	sst s1  }
0xa: {  	[smem:$0x3FAE] =	sst s2  }
0xb: {  	[smem:$0x3FAF] =	sst s3  }
0xc: {  	[smem:$0x3FB0] =	sst s4  }
0xd: {  	[smem:$0x3FB1] =	sst s5  }
0xe: {  	[smem:$0x3FB2] =	sst s6  }
0xf: {  	[smem:$0x3FB3] =	sst s7  }
0x10: {  	[smem:$0x3FB4] =	sst s8  }
0x11: {  	[smem:$0x3FB5] =	sst s9;
	s0 =	simm.s32 @!p0 $0x0  }
0x12: {  	s1 =	sld [smem:$0x3F9B];
	s0 =	simm.s32 @p0 $0x1  }
0x13: {  	[smem:$0x3FB6] =	sst s0;
	s0 =	simm.s32 @!p1 $0x0  }
0x14: {  	s2 =	sld [smem:$0x3F9A];
	s0 =	simm.s32 @p1 $0x1  }
0x15: {  	[smem:$0x3FB7] =	sst s0;
	s0 =	simm.s32 @!p2 $0x0  }
0x16: {  	s3 =	sld [smem:$0x3FDB];
	s0 =	simm.s32 @p2 $0x1  }
0x17: {  	s4 =	simm.s32 $0x1BF5;
	[smem:$0x3FB9] =	sst s0  }
0x18: {  	s0 =	sld [smem:$0x3F9C];
	_ =	swait.ge [sflag:s4], $0x0  }
0x19: {  	s7 =	sld [smem:$0x3F9D]  }
0x1a: {  	s8 =	sadd.s32 $0xFFFFE003, lr  }
0x1b: {  	s9 =	sadd.s32 $0xFFFFFEF7, lr;
	s5 =	simm.s32 $0xFFFFFFFF;
	p2 =	slt.u32 s8, $0xFFFFF086  }
0x1c: {  	p1 =	slt.u32 s9, $0xF7A;
	s5 =	simm.s32 @!p2 $0x0  }
0x1d: {  	s5 =	simm.s32 @p1 $0x1;
	p0 =	seq.s32 s7, s2  }
0x1e: {  	s7 =	smul.u32 @!p0 $0xF7A, s2;
	p2 =	seq.s32 @!p0 s5, $0x0  }
0x1f: {  	s9 =	smul.u32 $0xF7A, s1;
	s8 =	simm.s32 @!p0 $0x1BF5;
	p2 =	por !p2, p0  }
0x20: {  	[sflag:s8] =	ssyncset.s32 @!p0 $0xFFFFF086;
	s6 =	sadd.s32 @!p0 s3, s7;
	s7 =	simm.s32 @!p0 $0x108  }
0x21: {  	s3 =	sadd.s32 s3, s9;
	s6 =	sadd.s32 @!p0 $0x88, s6;
	s7 =	simm.s32 @p2 $0x1082  }
0x22: {  	[simem:s7], [sflag:s8] =	dma.local @!p0 [hbm:s6], $0xF7A  }
0x23: {  	s9 =	sor.u32 $0xD0000000, s2;
	s6 =	simm.s32 $0x108;
	_ =	swait.ge @!p0 [sflag:s8], $0x0  }
0x24: {  	s3 =	sadd.s32 $0x88, s3;
	s6 =	simm.s32 @!p1 $0x1082;
	[sflag:s4] =	ssyncset.s32 $0xFFFFF086  }
0x25: {  	[simem:s6], [sflag:s4] =	dma.local [hbm:s3], $0xF7A  }
0x26: {  	[smem:$0x3F9D] =	sst s1;
	(tag) =	ssettag s2;
	_ =	strace s9  }
0x27: {  	s1 =	sld [smem:$0x3FAD]  }
0x28: {  	s2 =	sld [smem:$0x3FAE]  }
0x29: {  	s4 =	sld [smem:$0x3FB0]  }
0x2a: {  	p0 =	seq.s32 s5, $0x0;
	s5 =	sld [smem:$0x3FB1]  }
0x2b: {  	s6 =	sld [smem:$0x3FB2]  }
0x2c: {  	s7 =	sld [smem:$0x3FB3]  }
0x2d: {  	s3 =	simm.s32 $0x108;
	s8 =	sld [smem:$0x3FB4]  }
0x2e: {  	s3 =	simm.s32 @!p0 $0x1082;
	s9 =	sld [smem:$0x3FB5]  }
0x2f: {  	lr =	sadd.s32 s0, s3;
	s0 =	sld [smem:$0x3FAC]  }
0x30: {  	s3 =	sld [smem:$0x3FAF]  }
0x31: {  	[smem:$0x3FB8] =	sst s10  }
0x32: {  	s10 =	sld [smem:$0x3FB6];
	_ =	sdelay $0x3  }
0x33: {  	p0 =	seq.s32 s10, $0x1;
	s10 =	sld [smem:$0x3FB8];
	_ =	sdelay $0x3  }
0x34: {  	[smem:$0x3FB8] =	sst s10  }
0x35: {  	s10 =	sld [smem:$0x3FB7];
	_ =	sdelay $0x3  }
0x36: {  	p1 =	seq.s32 s10, $0x1;
	s10 =	sld [smem:$0x3FB8];
	_ =	sdelay $0x3  }
0x37: {  	[smem:$0x3FB8] =	sst s10  }
0x38: {  	s10 =	sld [smem:$0x3FB9]  }
0x39: {  	_ = 	snop;
	(pc) =	sbr.ind lr, $3  }
0x3a: {  	_ = 	snop  }
0x3b: {  	_ = 	snop  }
0x3c: {  	p2 =	seq.s32 s10, $0x1;
	s10 =	sld [smem:$0x3FB8]  }
0x3d: {  	_ =	shalt  }
0x3e: {  	_ =	shalt  }
0x3f: {  	_ =	shalt  }
0x40: {  	_ =	shalt  }
0x41: {  	_ =	shalt  }
0x42: {  	_ =	shalt  }
0x43: {  	_ =	shalt  }
0x44: {  	_ =	shalt  }
0x45: {  	_ =	shalt  }
0x46: {  	_ =	shalt  }
0x47: {  	_ =	shalt  }
0x48: {  	_ =	shalt  }
0x49: {  	_ =	shalt  }
0x4a: {  	_ =	shalt  }
0x4b: {  	_ =	shalt  }
0x4c: {  	_ =	shalt  }
0x4d: {  	_ =	shalt  }
0x4e: {  	_ =	shalt  }
0x4f: {  	_ =	shalt  }
0x50: {  	_ =	shalt  }
0x51: {  	_ =	shalt  }
0x52: {  	_ =	shalt  }
0x53: {  	_ =	shalt  }
0x54: {  	_ =	shalt  }
0x55: {  	_ =	shalt  }
0x56: {  	_ =	shalt  }
0x57: {  	_ =	shalt  }
0x58: {  	_ =	shalt  }
0x59: {  	_ =	shalt  }
0x5a: {  	_ =	shalt  }
0x5b: {  	_ =	shalt  }
0x5c: {  	_ =	shalt  }
0x5d: {  	_ =	shalt  }
0x5e: {  	_ =	shalt  }
0x5f: {  	_ =	shalt  }
0x60: {  	_ =	shalt  }
0x61: {  	_ =	shalt  }
0x62: {  	_ =	shalt  }
0x63: {  	_ =	shalt  }
0x64: {  	_ =	shalt  }
0x65: {  	_ =	shalt  }
0x66: {  	_ =	shalt  }
0x67: {  	_ =	shalt  }
0x68: {  	_ =	shalt  }
0x69: {  	_ =	shalt  }
0x6a: {  	_ =	shalt  }
0x6b: {  	_ =	shalt  }
0x6c: {  	_ =	shalt  }
0x6d: {  	_ =	shalt  }
0x6e: {  	_ =	shalt  }
0x6f: {  	_ =	shalt  }
0x70: {  	_ =	shalt  }
0x71: {  	_ =	shalt  }
0x72: {  	_ =	shalt  }
0x73: {  	_ =	shalt  }
0x74: {  	_ =	shalt  }
0x75: {  	_ =	shalt  }
0x76: {  	_ =	shalt  }
0x77: {  	_ =	shalt  }
0x78: {  	_ =	shalt  }
0x79: {  	_ =	shalt  }
0x7a: {  	_ =	shalt  }
0x7b: {  	_ =	shalt  }
0x7c: {  	_ =	shalt  }
0x7d: {  	_ =	shalt  }
0x7e: {  	_ =	shalt  }
0x7f: {  	_ =	shalt  }
0x80: {  	_ =	shalt  }
0x81: {  	_ =	shalt  }
0x82: {  	_ =	shalt  }
0x83: {  	_ =	shalt  }
0x84: {  	_ =	shalt  }
0x85: {  	_ =	shalt  }
0x86: {  	_ =	shalt  }
0x87: {  	_ =	shalt  }
.Lfunc_end0:
.L_simem_size_0:
called_computation_lowered:
.L_overlay_start_0:
0x88: {  	s2 =	sld [smem:$0x3FD9]  }
0x89: {  	s3 =	sld [smem:$0x3FFE];
	_ =	sdelay $0x1  }
0x8a: {  	s1 =	srdreg.scid  }
0x8b: {  	s0 =	sand.u32 $0x1, s1  }
0x8c: {  	s18 =	sshll.u32 s0, $0xA;
	s2 =	sadd.s32 s3, s2  }
0x8d: {  	s2 =	sadd.s32 s2, s18  }
0x8e: {  	[smem:$0x3FC4] =	sst s2  }
0x8f: {  	_ = 	snop  }
0x90: {  	s2 =	sld [smem:$0x3FC9]  }
0x91: {  	s19 =	sld [smem:$0x3FC8]  }
0x92: {  	s4 =	sld [smem:$0x3FC7]  }
0x93: {  	s5 =	sld [smem:$0x3FC6]  }
0x94: {  	s6 =	sld [smem:$0x3FD0];
	(tm) =	ssettm $0x1  }
0x95: {  	s7 =	sld [smem:$0x3FFB];
	_ =	sdelay $0x3  }
0x96: {  	_ =	strace s7  }
0x97: {  	s7 =	sld [smem:$0x3FFC];
	_ =	sdelay $0x3  }
0x98: {  	_ =	strace s7  }
0x99: {  	s7 =	sld [smem:$0x3FFD];
	_ =	sdelay $0x3  }
0x9a: {  	_ =	strace s7  }
0x9b: {  	_ =	strace $0x8FFFFFFF  }
0x9c: {  	s20 =	sld [smem:$0x3FDB];
	_ =	sdelay $0x1  }
0x9d: {  	s8 =	simm.s32 $_scs_section_size  }
0x9e: {  	s9 =	simm.s32 $_size__tile_overlayer_lowered;
	s10 =	simm.s32 $_tile_overlayer_lowered  }
0x9f: {  	s23 =	simm.s32 $0x1BFF;
	s22 =	sshll.u32 s10, $0x1;
	s7 =	sadd.s32 s8, s20  }
0xa0: {  	s11 =	simm.s32 $0x0;
	s21 =	sshll.u32 s9, $0x1;
	s9 =	sadd.s32 s22, s7  }
0xa1: {  	[timem:s11], [sflag:s23] =	dma.local [hbm:s9], s21  }
0xa2: {  	_ =	swait.ge [sflag:s23], s21  }
0xa3: {  	s8 =	ssub.s32 $0x0, s21;
	[sflag:s23] =	ssyncset.done $0x0  }
0xa4: {  	[sflag:s23] =	ssyncadd.s32 s8;
	_ =	sdelay $0x1  }
0xa5: {  	s24 =	simm.s32 $0x1B8B  }
0xa6: {  	_ =	swait.ge [sflag:s24], $0x1  }
0xa7: {  	[sflag:s24] =	ssyncset.done $0x0  }
0xa8: {  	s25 =	simm.s32 $0x1B8E;
	[sflag:s24] =	ssyncadd.s32 $0xFFFFFFFF  }
0xa9: {  	s26 =	simm.s32 $execute0_lowered;
	[smem:$0x3FD2] =	sst s25  }
0xaa: {  	s8 =	sshll.u32 s26, $0x1;
	_ =	strace $0x80000046;
	[dreg:$0x1] =	wrdreg $0xFFFFFFFF  }
0xab: {  	s28 =	simm.s32 $_size_execute0_lowered;
	s7 =	sadd.s32 s7, s8;
	[dreg:$0x0] =	wrdreg $0x0  }
0xac: {  	s8 =	sshll.u32 s28, $0x1;
	[dreg:$0x2] =	wrdreg s7  }
0xad: {  	[dreg:$0x3] =	wrdreg s8  }
0xae: {  	[dreg:$0x4] =	wrdreg $0xC0  }
0xaf: {  	_ =	task [dreg:s11], $0x5FFFF  }
0xb0: {  	[dreg:$0x1] =	wrdreg $0xFFFFFFFF  }
0xb1: {  	[dreg:$0x0] =	wrdreg $0x60  }
0xb2: {  	[dreg:$0x2] =	wrdreg s2  }
0xb3: {  	[dreg:$0x3] =	wrdreg s19  }
0xb4: {  	[dreg:$0x4] =	wrdreg s4  }
0xb5: {  	[dreg:$0x5] =	wrdreg s5  }
0xb6: {  	[dreg:$0x6] =	wrdreg s6  }
0xb7: {  	[dreg:$0x7] =	wrdreg $0x9  }
0xb8: {  	_ =	task.clear_ibuf [dreg:s11], $0x8FFFF;
	_ =	strace $0x90000046  }
0xb9: {  	s29 =	simm.s32 $0x9;
	_ =	strace $0x80000048  }
0xba: {  	_ =	swait.ge [sflag:s29], $0x1  }
0xbb: {  	[sflag:s29] =	ssyncadd.s32 $0xFFFFFFFF  }
0xbc: {  	_ =	strace $0x90000048  }
0xbd: {  	_ =	sfence  }
0xbe: {  	s30 =	sld [smem:$0x0];
	_ =	sdelay $0x2  }
0xbf: {  	s31 =	sshll.u32 s1, $0xD;
	s1 =	sshrl.u32 s1, $0x2  }
0xc0: {  	s3 =	sand.u32 $0x4000, s31;
	s1 =	sadd.s32 s1, s30  }
0xc1: {  	s0 =	sor.u32 s3, s0;
	s1 =	sshll.u32 s1, $0x11  }
0xc2: {  	s0 =	sor.u32 s1, s0  }
0xc3: {  	s0 =	sadd.s32 $0x8F2B, s0  }
0xc4: {  	[sflag:s0] =	ssyncadd.remote.s32 $0x1  }
0xc5: {  	_ =	sfence.sel $0xFFFF  }
0xc6: {  	[dreg:$0x0] =	wrdreg $0xFFFFFFFF;
	(pc) =	sbr.abs _section_cstart, $3  }
0xc7: {  	[dreg:$0x1] =	wrdreg $0xFFFFFFFF  }
0xc8: {  	_ =	task.clear_ibuf [dreg:s11], $0x2FFFF;
	_ =	strace $0x9FFFFFFF  }
0xc9: {  	(tm) =	ssettm $0x7FFFFFFF  }
tec
execute0_lowered:
.L_overlay_start_1:
0x0: {  	(tag) =	ssettag $0x1  }
0x1: {  	s5 =	rddreg [dreg:$0x0]  }
0x2: {  	s6 =	rddreg [dreg:$0x1]  }
0x3: {  	s1 =	rddreg [dreg:$0x2]  }
0x4: {  	s2 =	rddreg [dreg:$0x3]  }
0x5: {  	s7 =	rddreg [dreg:$0x4];
	s3 =	srdreg.scid;
	s4 =	simm.s32 $0x0  }
0x6: {  	s0 =	stileid.u32;
	s12 =	simm.s32 $0x7A1400;
	s14 =	simm.s32 $0x4500  }
0x7: {  	s13 =	simm.s32 $0x500;
	s15 =	simm.s32 $0xC500;
	s16 =	simm.s32 $0x5500  }
0x8: {  	s17 =	simm.s32 $0xD500;
	s18 =	simm.s32 $0x6500;
	s19 =	simm.s32 $0xE500  }
0x9: {  	s20 =	simm.s32 $0x7500;
	s21 =	simm.s32 $0xF500;
	[smem:$0x7FF] =	sst s4  }
0xa: {  	s22 =	simm.s32 $0x2;
	_ =	strace $0x80000047;
	[dreg:$0x6] =	wrdreg s14  }
0xb: {  	s23 =	simm.s32 $0x10500;
	s24 =	simm.s32 $0x0;
	[dreg:$0x7] =	wrdreg s15  }
0xc: {  	s8 =	sand.u32 $0x1, s3;
	s11 =	sshll.u32 s0, $0x7;
	[dreg:$0x8] =	wrdreg s16  }
0xd: {  	v0 =	vlaneseq.u32;
	s9 =	ssub.s32 $0x2, s8;
	s8 =	sshll.u32 s8, $0x6;
	[dreg:$0x9] =	wrdreg s17  }
0xe: {  	v1 =	vmul.u32 $0x80, v0;
	s14 =	simm.s32 $0x8500;
	s15 =	simm.s32 $0x1500;
	[dreg:$0xa] =	wrdreg s18  }
0xf: {  	s16 =	simm.s32 $0x9500;
	s17 =	simm.s32 $0x2500;
	[dreg:$0xb] =	wrdreg s19  }
0x10: {  	s18 =	simm.s32 $0xA500;
	s19 =	simm.s32 $0x3500;
	[dreg:$0xc] =	wrdreg s20;
	v2 =	vor.u32 $0x800, v1;
	v3 =	vor.u32 $0x1000, v1;
	v4 =	vor.u32 $0x1800, v1  }
0x11: {  	s20 =	simm.s32 $0xB500;
	[dreg:$0xd] =	wrdreg s21;
	s21 =	simm.s32 $0x1;
	v5 =	vor.u32 $0x2000, v1;
	v6 =	vor.u32 $0x2800, v1;
	v7 =	vor.u32 $0x3000, v1  }
0x12: {  	s10 =	sshrl.u32 s9, $0x1;
	s8 =	sor.u32 s8, s11;
	s11 =	simm.s32 $0x400;
	v8 =	vor.u32 $0x3800, v1;
	v9 =	vor.u32 $0x4000, v1;
	v10 =	vor.u32 $0x4800, v1  }
0x13: {  	v11 =	vor.u32 $0x5000, v1;
	v12 =	vor.u32 $0x5800, v1;
	v13 =	vor.u32 $0x6000, v1;
	s9 =	ssub.s32 s9, s10;
	s5 =	sadd.s32 s5, s8;
	s6 =	sadd.s32 s6, s8  }
0x14: {  	v14 =	vor.u32 $0x6800, v1;
	v15 =	vor.u32 $0x7000, v1;
	v16 =	vor.u32 $0x7800, v1;
	s7 =	sadd.s32 s7, s8;
	s8 =	smax.u32 s9, $0x1;
	s9 =	simm.s32 $0x3  }
.LBB2_1:
0x15: {  	[tilespmem:s4], [sflag:$0x3] =	stream.linear.gather [hbm4b:s5+s4], $0x200, $0x38;
	[tilespmem:$0x10700] =	vst v63  }
0x16: {  	_ =	swait.ge [sflag:s9], $0x200  }
0x17: {  	[sflag:s9] =	ssyncset.done $0x0  }
0x18: {  	s0 =	simm.s32 $0x280;
	[sflag:s9] =	ssyncadd.s32 $0xFFFFFE00  }
0x19: {  	[tilespmem:s0], [sflag:$0x3] =	stream.linear.gather [hbm4b:s6+s4], $0x200, $0x38;
	[tilespmem:$0x10700] =	vst v63  }
0x1a: {  	_ =	swait.ge [sflag:s9], $0x200  }
0x1b: {  	[sflag:s9] =	ssyncset.done $0x0  }
0x1c: {  	[sflag:s9] =	ssyncadd.s32 $0xFFFFFE00  }
0x1d: {  	v17 =	vld [tilespmem:$0x0]  }
0x1e: {  	v18 =	vld [tilespmem:$0x280];
	_ =	sdelay $0x3  }
0x1f: {  	(v2sf) =	vpush v17, $0x0  }
0x20: {  	(v2sf) =	vpush v18, $0x0;
	_ =	sdelay $0x1  }
0x21: {  	(v2sf) =	vpush v17, $0x1;
	_ =	sdelay $0x4  }
0x22: {  	(v2sf) =	vpush v18, $0x1  }
0x23: {  	(v2sf) =	vpush v17, $0x2;
	_ =	sdelay $0x5  }
0x24: {  	s25 =	spop (v2sf);
	(v2sf) =	vpush v18, $0x2  }
0x25: {  	s29 =	spop (v2sf);
	(v2sf) =	vpush v17, $0x3  }
0x26: {  	s25 =	sand.u32 $0xFFFFF80, s25  }
0x27: {  	s25 =	sadd.s32 s1, s25;
	s30 =	spop (v2sf)  }
0x28: {  	(v2sf) =	vpush v18, $0x3;
	[tilespmem:s13], [sflag:$0x1] =	stream.strided.gather [hbm4b:s25+s11], $0x1000, s12, s11, $0x38;
	[tilespmem:$0x10700] =	vst v63  }
0x29: {  	s25 =	sand.u32 $0xFFFFF80, s29  }
0x2a: {  	s25 =	sadd.s32 s2, s25  }
0x2b: {  	[tilespmem:s14], [sflag:$0x1] =	stream.strided.gather [hbm4b:s25+s11], $0x1000, s12, s11, $0x38;
	[tilespmem:$0x10700] =	vst v63  }
0x2c: {  	s26 =	spop (v2sf);
	s25 =	sand.u32 $0xFFFFF80, s30  }
0x2d: {  	s31 =	sand.u32 $0xFFFFF80, s26;
	s0 =	spop (v2sf);
	s25 =	sadd.s32 s1, s25  }
0x2e: {  	[tilespmem:s15], [sflag:$0x1] =	stream.strided.gather [hbm4b:s25+s11], $0x1000, s12, s11, $0x38;
	[tilespmem:$0x10700] =	vst v63  }
0x2f: {  	s3 =	sand.u32 $0xFFFFF80, s0;
	s25 =	sadd.s32 s2, s31  }
0x30: {  	[tilespmem:s16], [sflag:$0x1] =	stream.strided.gather [hbm4b:s25+s11], $0x1000, s12, s11, $0x38;
	[tilespmem:$0x10700] =	vst v63  }
0x31: {  	s25 =	sadd.s32 s1, s3  }
0x32: {  	[tilespmem:s17], [sflag:$0x1] =	stream.strided.gather [hbm4b:s25+s11], $0x1000, s12, s11, $0x38;
	[tilespmem:$0x10700] =	vst v63  }
0x33: {  	s10 =	spop (v2sf)  }
0x34: {  	s26 =	sand.u32 $0xFFFFF80, s10;
	s29 =	spop (v2sf)  }
0x35: {  	s25 =	sadd.s32 s2, s26;
	s30 =	sand.u32 $0xFFFFF80, s29  }
0x36: {  	[tilespmem:s18], [sflag:$0x1] =	stream.strided.gather [hbm4b:s25+s11], $0x1000, s12, s11, $0x38;
	[tilespmem:$0x10700] =	vst v63  }
0x37: {  	s31 =	spop (v2sf);
	s25 =	sadd.s32 s1, s30  }
0x38: {  	[tilespmem:s19], [sflag:$0x1] =	stream.strided.gather [hbm4b:s25+s11], $0x1000, s12, s11, $0x38;
	[tilespmem:$0x10700] =	vst v63  }
0x39: {  	s25 =	sand.u32 $0xFFFFF80, s31  }
0x3a: {  	s25 =	sadd.s32 s2, s25  }
0x3b: {  	[tilespmem:s20], [sflag:$0x1] =	stream.strided.gather [hbm4b:s25+s11], $0x1000, s12, s11, $0x38;
	[tilespmem:$0x10700] =	vst v63  }
0x3c: {  	s28 =	simm.s32 $0x0;
	v17 =	vimm.f32 $0.0e+00;
	s26 =	simm.s32 $0x0;
	s25 =	simm.s32 $0xFFFFFFE0  }
.LBB2_2:
0x3d: {  	s29 =	sshra.s32 s25, $0x2  }
0x3e: {  	v18 =	vld [tilespmem:s29+$0xC];
	_ =	sdelay $0x1  }
0x3f: {  	v19 =	vld [tilespmem:s29+$0x28C];
	_ =	sdelay $0x2  }
0x40: {  	(v2sf) =	vpush v18, $0x0;
	_ =	sdelay $0x1  }
0x41: {  	(v2sf) =	vpush v19, $0x0;
	_ =	sdelay $0x1  }
0x42: {  	(v2sf) =	vpush v18, $0x1;
	_ =	sdelay $0x5  }
0x43: {  	(v2sf) =	vpush v19, $0x1;
	_ =	sdelay $0x4  }
0x44: {  	s30 =	spop (v2sf);
	(v2sf) =	vpush v18, $0x2;
	_ =	sdelay $0x1  }
0x45: {  	s0 =	spop (v2sf);
	(v2sf) =	vpush v19, $0x2  }
0x46: {  	s30 =	sand.u32 $0xFFFFF80, s30  }
0x47: {  	s31 =	rddreg [dreg:$0x6];
	s30 =	sadd.s32 s1, s30;
	s10 =	spop (v2sf)  }
0x48: {  	(v2sf) =	vpush v18, $0x3;
	[tilespmem:s31], [sflag:$0x2] =	stream.strided.gather [hbm4b:s30+s11], $0x1000, s12, s11, $0x38;
	[tilespmem:$0x10700] =	vst v63  }
0x49: {  	s30 =	sand.u32 $0xFFFFF80, s0  }
0x4a: {  	s3 =	rddreg [dreg:$0x7];
	s30 =	sadd.s32 s2, s30  }
0x4b: {  	(v2sf) =	vpush v19, $0x3;
	[tilespmem:s3], [sflag:$0x2] =	stream.strided.gather [hbm4b:s30+s11], $0x1000, s12, s11, $0x38;
	[tilespmem:$0x10700] =	vst v63  }
0x4c: {  	s30 =	sand.u32 $0xFFFFF80, s10  }
0x4d: {  	s0 =	rddreg [dreg:$0x8];
	s3 =	spop (v2sf);
	s30 =	sadd.s32 s1, s30  }
0x4e: {  	[tilespmem:s0], [sflag:$0x2] =	stream.strided.gather [hbm4b:s30+s11], $0x1000, s12, s11, $0x38;
	[tilespmem:$0x10700] =	vst v63  }
0x4f: {  	s30 =	sand.u32 $0xFFFFF80, s3  }
0x50: {  	s10 =	rddreg [dreg:$0x9];
	s30 =	sadd.s32 s2, s30  }
0x51: {  	[tilespmem:s10], [sflag:$0x2] =	stream.strided.gather [hbm4b:s30+s11], $0x1000, s12, s11, $0x38;
	[tilespmem:$0x10700] =	vst v63  }
0x52: {  	s0 =	spop (v2sf)  }
0x53: {  	s30 =	sand.u32 $0xFFFFF80, s0  }
0x54: {  	s3 =	rddreg [dreg:$0xa];
	s10 =	spop (v2sf);
	s30 =	sadd.s32 s1, s30  }
0x55: {  	[tilespmem:s3], [sflag:$0x2] =	stream.strided.gather [hbm4b:s30+s11], $0x1000, s12, s11, $0x38;
	[tilespmem:$0x10700] =	vst v63  }
0x56: {  	s30 =	sand.u32 $0xFFFFF80, s10  }
0x57: {  	s0 =	rddreg [dreg:$0xb];
	s3 =	spop (v2sf);
	s30 =	sadd.s32 s2, s30  }
0x58: {  	[tilespmem:s0], [sflag:$0x2] =	stream.strided.gather [hbm4b:s30+s11], $0x1000, s12, s11, $0x38;
	[tilespmem:$0x10700] =	vst v63  }
0x59: {  	s30 =	sand.u32 $0xFFFFF80, s3  }
0x5a: {  	s10 =	rddreg [dreg:$0xc];
	s0 =	spop (v2sf);
	s30 =	sadd.s32 s1, s30  }
0x5b: {  	[tilespmem:s10], [sflag:$0x2] =	stream.strided.gather [hbm4b:s30+s11], $0x1000, s12, s11, $0x38;
	[tilespmem:$0x10700] =	vst v63  }
0x5c: {  	s30 =	sand.u32 $0xFFFFF80, s0  }
0x5d: {  	s3 =	rddreg [dreg:$0xd];
	s30 =	sadd.s32 s2, s30  }
0x5e: {  	[tilespmem:s3], [sflag:$0x2] =	stream.strided.gather [hbm4b:s30+s11], $0x1000, s12, s11, $0x38;
	[tilespmem:$0x10700] =	vst v63  }
0x5f: {  	_ =	swait.ge [sflag:s21], $0x1000  }
0x60: {  	[sflag:s21] =	ssyncset.done $0x0  }
0x61: {  	[sflag:s21] =	ssyncadd.s32 $0xFFFFF000  }
0x62: {  	_ =	swait.ge [sflag:s21], $0x1000  }
0x63: {  	[sflag:s21] =	ssyncset.done $0x0  }
0x64: {  	[sflag:s21] =	ssyncadd.s32 $0xFFFFF000  }
0x65: {  	_ =	swait.ge [sflag:s21], $0x1000  }
0x66: {  	[sflag:s21] =	ssyncset.done $0x0  }
0x67: {  	[sflag:s21] =	ssyncadd.s32 $0xFFFFF000  }
0x68: {  	_ =	swait.ge [sflag:s21], $0x1000  }
0x69: {  	[sflag:s21] =	ssyncset.done $0x0  }
0x6a: {  	[sflag:s21] =	ssyncadd.s32 $0xFFFFF000  }
0x6b: {  	_ =	swait.ge [sflag:s21], $0x1000  }
0x6c: {  	[sflag:s21] =	ssyncset.done $0x0  }
0x6d: {  	[sflag:s21] =	ssyncadd.s32 $0xFFFFF000  }
0x6e: {  	_ =	swait.ge [sflag:s21], $0x1000  }
0x6f: {  	[sflag:s21] =	ssyncset.done $0x0  }
0x70: {  	[sflag:s21] =	ssyncadd.s32 $0xFFFFF000  }
0x71: {  	_ =	swait.ge [sflag:s21], $0x1000  }
0x72: {  	[sflag:s21] =	ssyncset.done $0x0  }
0x73: {  	[sflag:s21] =	ssyncadd.s32 $0xFFFFF000  }
0x74: {  	_ =	swait.ge [sflag:s21], $0x1000  }
0x75: {  	[sflag:s21] =	ssyncset.done $0x0  }
0x76: {  	[sflag:s21] =	ssyncadd.s32 $0xFFFFF000  }
0x77: {  	v18 =	vld [tilespmem:s29+$0x8];
	_ =	sdelay $0x1  }
0x78: {  	v19 =	vld [tilespmem:s29+$0x288]  }
0x79: {  	p0 =	seq.s32 s25, $0x7C0  }
0x7a: {  	s30 =	sshra.s32 @!p0 s25, $0x2  }
0x7b: {  	v20 =	vld @!p0 [tilespmem:s30+$0x10];
	v18 =	vand.u32 $0x7F, v18  }
0x7c: {  	v21 =	vbroadcast v18, $0x0  }
0x7d: {  	v19 =	vand.u32 $0x7F, v19  }
0x7e: {  	v22 =	vbroadcast v19, $0x0;
	v23 =	vor.u32 v1, v21  }
0x7f: {  	v26 =	vld @!p0 [tilespmem:s30+$0x290];
	v21 =	vor.u32 v2, v21  }
0x80: {  	(v2sf) =	vpush @!p0 v20, $0x0;
	v25 =	vbroadcast v18, $0x1;
	v24 =	vor.u32 v1, v22  }
0x81: {  	v22 =	vor.u32 v2, v22  }
0x82: {  	v27 =	vbroadcast v19, $0x1;
	v28 =	vor.u32 v3, v25  }
0x83: {  	v25 =	vor.u32 v4, v25;
	v23 =	vld.idx.msk [tilespmem:v23+s13+$0x0], $0xffff  }
0x84: {  	v30 =	vbroadcast v18, $0x2;
	(v2sf) =	vpush @!p0 v26, $0x0;
	v29 =	vor.u32 v3, v27;
	v21 =	vld.idx.msk [tilespmem:v21+s13+$0x0], $0xffff  }
0x85: {  	v27 =	vor.u32 v4, v27;
	v24 =	vld.idx.msk [tilespmem:v24+s14+$0x0], $0xffff  }
0x86: {  	v31 =	vbroadcast v19, $0x2;
	v32 =	vor.u32 v5, v30;
	v22 =	vld.idx.msk [tilespmem:v22+s14+$0x0], $0xffff  }
0x87: {  	v30 =	vor.u32 v6, v30;
	v28 =	vld.idx.msk [tilespmem:v28+s13+$0x0], $0xffff  }
0x88: {  	v18 =	vbroadcast v18, $0x3;
	(v2sf) =	vpush @!p0 v20, $0x1;
	v33 =	vor.u32 v5, v31;
	v25 =	vld.idx.msk [tilespmem:v25+s13+$0x0], $0xffff  }
0x89: {  	v31 =	vor.u32 v6, v31;
	v29 =	vld.idx.msk [tilespmem:v29+s14+$0x0], $0xffff  }
0x8a: {  	v19 =	vbroadcast v19, $0x3;
	v34 =	vor.u32 v7, v18;
	(v2sf) =	vpush @!p0 v26, $0x1;
	v27 =	vld.idx.msk [tilespmem:v27+s14+$0x0], $0xffff  }
0x8b: {  	v18 =	vor.u32 v8, v18;
	v32 =	vld.idx.msk [tilespmem:v32+s13+$0x0], $0xffff  }
0x8c: {  	v35 =	vor.u32 v7, v19;
	v30 =	vld.idx.msk [tilespmem:v30+s13+$0x0], $0xffff  }
0x8d: {  	v19 =	vor.u32 v8, v19;
	(v2sf) =	vpush @!p0 v20, $0x2;
	v33 =	vld.idx.msk [tilespmem:v33+s14+$0x0], $0xffff  }
0x8e: {  	v31 =	vld.idx.msk [tilespmem:v31+s14+$0x0], $0xffff  }
0x8f: {  	v34 =	vld.idx.msk [tilespmem:v34+s13+$0x0], $0xffff;
	s30 =	spop @!p0 (v2sf)  }
0x90: {  	s31 =	simm.s32 @!p0 $0x400;
	v18 =	vld.idx.msk [tilespmem:v18+s13+$0x0], $0xffff;
	s30 =	sand.u32 @!p0 $0xFFFFF80, s30  }
0x91: {  	s0 =	simm.s32 @!p0 $0x7A1400;
	s3 =	simm.s32 @!p0 $0x500;
	v35 =	vld.idx.msk [tilespmem:v35+s14+$0x0], $0xffff;
	s30 =	sadd.s32 @!p0 s1, s30  }
0x92: {  	v19 =	vld.idx.msk [tilespmem:v19+s14+$0x0], $0xffff;
	(v2sf) =	vpush @!p0 v26, $0x2;
	[tilespmem:s3], [sflag:$0x1] =	stream.strided.gather @!p0 [hbm4b:s30+s31], $0x1000, s0, s31, $0x38  }
0x93: {  	s3 =	spop @!p0 (v2sf)  }
0x94: {  	(v2sf) =	vpush @!p0 v20, $0x3;
	s3 =	sand.u32 @!p0 $0xFFFFF80, s3  }
0x95: {  	s30 =	simm.s32 @!p0 $0x8500;
	s3 =	sadd.s32 @!p0 s2, s3  }
0x96: {  	[tilespmem:s30], [sflag:$0x1] =	stream.strided.gather @!p0 [hbm4b:s3+s31], $0x1000, s0, s31, $0x38;
	[tilespmem:$0x10700] =	vst v63  }
0x97: {  	s3 =	spop @!p0 (v2sf)  }
0x98: {  	v55 =	vmul.f32 v24, v23;
	v21 =	vmul.f32 v22, v21;
	s3 =	sand.u32 @!p0 $0xFFFFF80, s3  }
0x99: {  	s10 =	simm.s32 @!p0 $0x1500;
	(v2sf) =	vpush @!p0 v26, $0x3;
	s30 =	spop @!p0 (v2sf);
	s3 =	sadd.s32 @!p0 s1, s3  }
0x9a: {  	v56 =	vmul.f32 v29, v28;
	v57 =	vmul.f32 v27, v25;
	v20 =	vadd.f32 v21, v55;
	[tilespmem:s10], [sflag:$0x1] =	stream.strided.gather @!p0 [hbm4b:s3+s31], $0x1000, s0, s31, $0x38;
	[tilespmem:$0x10700] =	vst v63  }
0x9b: {  	v59 =	vmul.f32 v33, v32;
	v60 =	vmul.f32 v31, v30;
	s3 =	sand.u32 @!p0 $0xFFFFF80, s30  }
0x9c: {  	v58 =	vadd.f32 v57, v56;
	(xrf2) =	vadd.scan.msk.f32 $0xffff, v20;
	s10 =	spop @!p0 (v2sf);
	s30 =	simm.s32 @!p0 $0x9500;
	s3 =	sadd.s32 @!p0 s2, s3  }
0x9d: {  	v61 =	vmul.f32 v35, v34;
	v18 =	vmul.f32 v19, v18;
	v19 =	vadd.f32 v60, v59;
	[tilespmem:s30], [sflag:$0x1] =	stream.strided.gather @!p0 [hbm4b:s3+s31], $0x1000, s0, s31, $0x38;
	[tilespmem:$0x10700] =	vst v63  }
0x9e: {  	(xrf2) =	vadd.scan.msk.f32 $0xffff, v58;
	s3 =	sand.u32 @!p0 $0xFFFFF80, s10  }
0x9f: {  	v18 =	vadd.f32 v18, v61;
	(xrf2) =	vadd.scan.msk.f32 $0xffff, v19;
	s30 =	simm.s32 @!p0 $0x2500;
	s3 =	sadd.s32 @!p0 s1, s3  }
0xa0: {  	[tilespmem:s30], [sflag:$0x1] =	stream.strided.gather @!p0 [hbm4b:s3+s31], $0x1000, s0, s31, $0x38;
	[tilespmem:$0x10700] =	vst v63  }
0xa1: {  	(xrf2) =	vadd.scan.msk.f32 $0xffff, v18;
	s10 =	spop @!p0 (v2sf)  }
0xa2: {  	s3 =	sand.u32 @!p0 $0xFFFFF80, s10  }
0xa3: {  	s30 =	simm.s32 @!p0 $0xA500;
	s3 =	sadd.s32 @!p0 s2, s3;
	s10 =	spop @!p0 (v2sf)  }
0xa4: {  	[tilespmem:s30], [sflag:$0x1] =	stream.strided.gather @!p0 [hbm4b:s3+s31], $0x1000, s0, s31, $0x38;
	[tilespmem:$0x10700] =	vst v63  }
0xa5: {  	s3 =	sand.u32 @!p0 $0xFFFFF80, s10  }
0xa6: {  	s10 =	simm.s32 @!p0 $0x3500;
	s3 =	sadd.s32 @!p0 s1, s3  }
0xa7: {  	[tilespmem:s10], [sflag:$0x1] =	stream.strided.gather @!p0 [hbm4b:s3+s31], $0x1000, s0, s31, $0x38;
	[tilespmem:$0x10700] =	vst v63  }
0xa8: {  	v18, _, _ =	vpop (xrf2);
	s3 =	spop @!p0 (v2sf)  }
0xa9: {  	v19, _, _ =	vpop (xrf2);
	s3 =	sand.u32 @!p0 $0xFFFFF80, s3  }
0xaa: {  	v62, _, _ =	vpop (xrf2);
	s10 =	simm.s32 @!p0 $0xB500;
	s3 =	sadd.s32 @!p0 s2, s3  }
0xab: {  	v63, _, _ =	vpop (xrf2);
	[tilespmem:s10], [sflag:$0x1] =	stream.strided.gather @!p0 [hbm4b:s3+s31], $0x1000, s0, s31, $0x38;
	[tilespmem:$0x10700] =	vst v63  }
0xac: {  	_ =	swait.ge [sflag:s22], $0x1000  }
0xad: {  	[sflag:s22] =	ssyncset.done $0x0  }
0xae: {  	[sflag:s22] =	ssyncadd.s32 $0xFFFFF000  }
0xaf: {  	_ =	swait.ge [sflag:s22], $0x1000  }
0xb0: {  	[sflag:s22] =	ssyncset.done $0x0  }
0xb1: {  	[sflag:s22] =	ssyncadd.s32 $0xFFFFF000  }
0xb2: {  	_ =	swait.ge [sflag:s22], $0x1000  }
0xb3: {  	[sflag:s22] =	ssyncset.done $0x0  }
0xb4: {  	[sflag:s22] =	ssyncadd.s32 $0xFFFFF000  }
0xb5: {  	_ =	swait.ge [sflag:s22], $0x1000  }
0xb6: {  	[sflag:s22] =	ssyncset.done $0x0  }
0xb7: {  	[sflag:s22] =	ssyncadd.s32 $0xFFFFF000  }
0xb8: {  	_ =	swait.ge [sflag:s22], $0x1000  }
0xb9: {  	[sflag:s22] =	ssyncset.done $0x0  }
0xba: {  	[sflag:s22] =	ssyncadd.s32 $0xFFFFF000  }
0xbb: {  	_ =	swait.ge [sflag:s22], $0x1000  }
0xbc: {  	[sflag:s22] =	ssyncset.done $0x0  }
0xbd: {  	[sflag:s22] =	ssyncadd.s32 $0xFFFFF000  }
0xbe: {  	_ =	swait.ge [sflag:s22], $0x1000  }
0xbf: {  	[sflag:s22] =	ssyncset.done $0x0  }
0xc0: {  	[sflag:s22] =	ssyncadd.s32 $0xFFFFF000  }
0xc1: {  	_ =	swait.ge [sflag:s22], $0x1000  }
0xc2: {  	[sflag:s22] =	ssyncset.done $0x0  }
0xc3: {  	[sflag:s22] =	ssyncadd.s32 $0xFFFFF000  }
0xc4: {  	v37 =	vld [tilespmem:s29+$0xC];
	_ =	sdelay $0x1  }
0xc5: {  	v38 =	vld [tilespmem:s29+$0x28C];
	_ =	sdelay $0x2  }
0xc6: {  	v22 =	vand.u32 $0x7F, v37  }
0xc7: {  	v39 =	vbroadcast v22, $0x0  }
0xc8: {  	v23 =	vand.u32 $0x7F, v38  }
0xc9: {  	v40 =	vbroadcast v23, $0x0;
	v41 =	vor.u32 v9, v39  }
0xca: {  	v24 =	vor.u32 v10, v39  }
0xcb: {  	v43 =	vbroadcast v22, $0x1;
	v42 =	vor.u32 v9, v40  }
0xcc: {  	v25 =	vor.u32 v10, v40  }
0xcd: {  	v44 =	vbroadcast v23, $0x1;
	v45 =	vor.u32 v11, v43  }
0xce: {  	v28 =	vor.u32 v12, v43;
	v26 =	vld.idx.msk [tilespmem:v41+s13+$0x0], $0xffff  }
0xcf: {  	v47 =	vbroadcast v22, $0x2;
	v46 =	vor.u32 v11, v44;
	v24 =	vld.idx.msk [tilespmem:v24+s13+$0x0], $0xffff  }
0xd0: {  	v29 =	vor.u32 v12, v44;
	v27 =	vld.idx.msk [tilespmem:v42+s14+$0x0], $0xffff  }
0xd1: {  	v48 =	vbroadcast v23, $0x2;
	v49 =	vor.u32 v13, v47;
	v25 =	vld.idx.msk [tilespmem:v25+s14+$0x0], $0xffff  }
0xd2: {  	v32 =	vor.u32 v14, v47;
	v30 =	vld.idx.msk [tilespmem:v45+s13+$0x0], $0xffff  }
0xd3: {  	v22 =	vbroadcast v22, $0x3;
	v50 =	vor.u32 v13, v48;
	v28 =	vld.idx.msk [tilespmem:v28+s13+$0x0], $0xffff  }
0xd4: {  	v33 =	vor.u32 v14, v48;
	v31 =	vld.idx.msk [tilespmem:v46+s14+$0x0], $0xffff  }
0xd5: {  	v23 =	vbroadcast v23, $0x3;
	v36 =	vor.u32 v15, v22;
	v29 =	vld.idx.msk [tilespmem:v29+s14+$0x0], $0xffff  }
0xd6: {  	v22 =	vor.u32 v16, v22;
	v34 =	vld.idx.msk [tilespmem:v49+s13+$0x0], $0xffff  }
0xd7: {  	v37 =	vor.u32 v15, v23;
	v32 =	vld.idx.msk [tilespmem:v32+s13+$0x0], $0xffff  }
0xd8: {  	v23 =	vor.u32 v16, v23;
	v35 =	vld.idx.msk [tilespmem:v50+s14+$0x0], $0xffff  }
0xd9: {  	v33 =	vld.idx.msk [tilespmem:v33+s14+$0x0], $0xffff  }
0xda: {  	v36 =	vld.idx.msk [tilespmem:v36+s13+$0x0], $0xffff  }
0xdb: {  	v22 =	vld.idx.msk [tilespmem:v22+s13+$0x0], $0xffff;
	v26 =	vmul.f32 v27, v26;
	v24 =	vmul.f32 v25, v24  }
0xdc: {  	v37 =	vld.idx.msk [tilespmem:v37+s14+$0x0], $0xffff;
	v51 =	vmul.f32 v31, v30;
	v52 =	vmul.f32 v29, v28  }
0xdd: {  	v23 =	vld.idx.msk [tilespmem:v23+s14+$0x0], $0xffff;
	v24 =	vadd.f32 v24, v26  }
0xde: {  	v25 =	vadd.f32 v52, v51  }
0xdf: {  	(xrf2) =	vadd.scan.msk.f32 $0xffff, v24  }
0xe0: {  	v18 =	vbroadcast v18, $0xF;
	(xrf2) =	vadd.scan.msk.f32 $0xffff, v25  }
0xe1: {  	v53 =	vmul.f32 v35, v34;
	v54 =	vmul.f32 v33, v32  }
0xe2: {  	s0 =	sand.u32 $0x8, s26;
	v55 =	vmul.f32 v37, v36;
	v22 =	vmul.f32 v23, v22  }
0xe3: {  	v19 =	vbroadcast v19, $0xF;
	v57 =	vmov s0;
	s10 =	sor.u32 $0x1, s0;
	v56 =	vadd.f32 v54, v53  }
0xe4: {  	vm0 =	veq.s32 v57, v0;
	v58 =	vmov s10;
	v22 =	vadd.f32 v22, v55  }
0xe5: {  	v17 =	vsel vm0, v18, v17;
	vm9 =	veq.s32 v58, v0;
	s29 =	sor.u32 $0x2, s0;
	(xrf2) =	vadd.scan.msk.f32 $0xffff, v56  }
0xe6: {  	s30 =	sor.u32 $0x3, s0;
	v17 =	vsel vm9, v19, v17;
	v18 =	vmov s29;
	(xrf2) =	vadd.scan.msk.f32 $0xffff, v22  }
0xe7: {  	v19 =	vbroadcast v62, $0xF;
	vm10 =	veq.s32 v18, v0;
	v18 =	vmov s30  }
0xe8: {  	v59 =	vbroadcast v63, $0xF;
	s31 =	sadd.s32 $0x4, s26  }
0xe9: {  	s10 =	sand.u32 $0xC, s31;
	v17 =	vsel vm10, v19, v17;
	vm11 =	veq.s32 v18, v0;
	v60, _, _ =	vpop (xrf2)  }
0xea: {  	s29 =	sor.u32 $0x5, s0;
	v19 =	vmov s10;
	v17 =	vsel vm11, v59, v17;
	v18, _, _ =	vpop (xrf2);
	v61 =	vbroadcast v60, $0xF  }
0xeb: {  	vm12 =	veq.s32 v19, v0;
	v19 =	vmov s29;
	v18 =	vbroadcast v18, $0xF  }
0xec: {  	s31 =	sand.u32 $0x1, s28;
	s30 =	sor.u32 $0x6, s0;
	vm13 =	veq.s32 v19, v0;
	v17 =	vsel vm12, v61, v17  }
0xed: {  	p0 =	seq.s32 s31, $0x0;
	s0 =	sor.u32 $0x7, s0;
	v17 =	vsel vm13, v18, v17;
	v18 =	vmov s30  }
0xee: {  	vm14 =	veq.s32 v18, v0;
	v18 =	vmov s0;
	s0 =	sshra.s32 @!p0 s25, $0x2;
	s25 =	sadd.s32 $0x20, s25  }
0xef: {  	v62, _, _ =	vpop (xrf2);
	p1 =	sne.s32 s25, $0x7E0  }
.Ltmp0:
0xf0: {  	v19 =	vbroadcast v62, $0xF;
	v63, _, _ =	vpop (xrf2);
	(pc) =	sbr.rel @p1 .LBB2_2-.Ltmp0, $4  }
0xf1: {  	v20 =	vbroadcast v63, $0xF  }
0xf2: {  	v17 =	vsel vm14, v19, v17;
	vm15 =	veq.s32 v18, v0  }
0xf3: {  	v17 =	vsel vm15, v20, v17  }
0xf4: {  	s26 =	sadd.s32 $0x8, s26;
	s28 =	sadd.s32 $0x1, s28;
	[tilespmem:s0+$0x10500] =	vst @!p0 v17;
	v17 =	vpsel !p0, $0x0, v17  }
0xf5: {  	s24 =	sadd.s32 $0x1, s24  }
0xf6: {  	p0 =	sne.s32 s24, s8  }
.Ltmp1:
0xf7: {  	_ = 	snop;
	(pc) =	sbr.rel @p0 .LBB2_1-.Ltmp1, $4  }
0xf8: {  	[hbm4b:s7+s4] =	stream.linear.scatter [tilespmem:s23], [sflag:$0x3], $0x200, $0x38;
	[tilespmem:$0x10700] =	vst v63  }
0xf9: {  	_ =	swait.ge [sflag:s9], $0x200  }
0xfa: {  	[sflag:s9] =	ssyncset.done $0x0  }
0xfb: {  	[sflag:s9] =	ssyncadd.s32 $0xFFFFFE00  }
0xfc: {  	_ =	sfence.sel $0x180000  }
0xfd: {  	[bflag:$0x0] =	sbarrier.arrive $0xFFFF  }
0xfe: {  	_ =	strace $0x90000047  }
0xff: {  	s0 =	stileid.u32;
	[bflag:$0x2] =	sbarrier.arrive $0xFFFF  }
0x100: {  	p0 =	sne.s32 s0, $0x0;
	s0 =	rddreg [dreg:$0x5]  }
0x101: {  	s0 =	sadd.s32 @!p0 $0x100000, s0  }
0x102: {  	[sflag:s0] =	ssyncadd.tile.s32 @!p0 $0x1;
	_ =	shalt  }
.Lfunc_end2:
_tile_overlayer_lowered:
.L_overlay_start_2:
0x103: {  	(tag) =	ssettag $0x2  }
0x104: {  	s0 =	rddreg [dreg:$0x0];
	s2 =	stileid.u32  }
0x105: {  	s1 =	rddreg [dreg:$0x1];
	p0 =	sne.s32 s2, $0x0  }
0x106: {  	s3 =	rddreg [dreg:$0x2];
	[bflag:$0x3] =	sbarrier.arrive $0xFFFF;
	s2 =	simm.s32 @!p0 $0x1C03  }
0x107: {  	[timem:s3], [sflag:s2] =	dma.local @!p0 [hbm:s0], s1  }
0x108: {  	s0 =	simm.s32 @!p0 $0x3  }
0x109: {  	_ =	swait.ge @!p0 [sflag:s0], s1  }
0x10a: {  	s1 =	ssub.s32 @!p0 $0x0, s1;
	[sflag:s0] =	ssyncset.done @!p0 $0x0  }
0x10b: {  	[sflag:s0] =	ssyncadd.s32 @!p0 s1  }
0x10c: {  	[bflag:$0x3] =	sbarrier.arrive $0xFFFF  }
0x10d: {  	_ =	shalt  }

</sc_bundles>
